<compile_context>
chip_gen: v7x
topology: tpu7x:2x2x1
jax: 0.10.2.dev20260603
libtpu: 0.0.44.dev20260713+nightly
codegen_flags: <defaults>
</compile_context>

<pallas_src>
import functools

import jax
import jax.numpy as jnp
from jax import lax
from jax.experimental import pallas as pl
from jax.experimental.pallas import tpu as pltpu
from jax.experimental.pallas import tpu_sc as plsc

B = 8192
D = 1024
DB = 128
NC = 2
NS = 16
L = 16
NW = NC * NS
ROWS_PER_W = B // NW

MARK_AX, OP_AND, OP_OR, OP_XOR = 0, 1, 2, 3
ALU_LO, ALU_HI, AX_CARRY_LO, AX_CARRY_HI = 16, 32, 48, 64
OUTPUT_LO, OUTPUT_HI = 80, 96


def _decode_and_update(buf, g):
    rows = lax.iota(jnp.int32, L) + g * L

    def col(c):
        cols = jnp.full((L,), c, jnp.int32)
        return plsc.load_gather(buf, [rows, cols])

    mark = col(MARK_AX) > 0.5
    f_and = (col(OP_AND) > 0.5) & mark
    f_or = (col(OP_OR) > 0.5) & mark
    f_xor = (col(OP_XOR) > 0.5) & mark

    def argmax16(base):
        m = col(base)
        idx = jnp.zeros((L,), jnp.int32)
        for c in range(1, 16):
            v = col(base + c)
            gt = v > m
            idx = jnp.where(gt, c, idx)
            m = jnp.where(gt, v, m)
        return idx

    a = argmax16(ALU_LO) + 16 * argmax16(ALU_HI)
    b = argmax16(AX_CARRY_LO) + 16 * argmax16(AX_CARRY_HI)

    res = jnp.where(f_and, a & b, 0)
    res = jnp.where(f_or, a | b, res)
    res = jnp.where(f_xor, a ^ b, res)
    active = f_and | f_or | f_xor
    vals = jnp.where(active, 1.0, 0.0).astype(jnp.float32)

    col_lo = OUTPUT_LO + (res & 15)
    col_hi = OUTPUT_HI + (res >> 4)
    plsc.addupdate_scatter(buf, [rows, col_lo], vals)
    plsc.addupdate_scatter(buf, [rows, col_hi], vals)


@functools.partial(
    pl.kernel,
    out_type=jax.ShapeDtypeStruct((B, DB), jnp.float32),
    mesh=plsc.VectorSubcoreMesh(
        core_axis_name="c", subcore_axis_name="s", num_cores=NC, num_subcores=NS
    ),
    scratch_types=[pltpu.VMEM((ROWS_PER_W, DB), jnp.float32)],
    compiler_params=pltpu.CompilerParams(needs_layout_passes=False),
)
def _sc_decode(x_hbm, blk_hbm, buf):
    wid = lax.axis_index("s") * NC + lax.axis_index("c")
    base = wid * ROWS_PER_W
    pltpu.sync_copy(x_hbm.at[pl.ds(base, ROWS_PER_W), pl.ds(0, DB)], buf)

    def group_body(g, carry):
        _decode_and_update(buf, g)
        return carry

    lax.fori_loop(0, ROWS_PER_W // L, group_body, 0)
    pltpu.sync_copy(buf, blk_hbm.at[pl.ds(base, ROWS_PER_W)])


_COPY_ROWS = 2048


def _tc_copy_body(x_ref, out_ref):
    out_ref[...] = x_ref[...]


_tc_copy = pl.pallas_call(
    _tc_copy_body,
    out_shape=jax.ShapeDtypeStruct((B, D), jnp.float32),
    grid=(B // _COPY_ROWS,),
    in_specs=[pl.BlockSpec((_COPY_ROWS, D), lambda i: (i, 0))],
    out_specs=pl.BlockSpec((_COPY_ROWS, D), lambda i: (i, 0)),
)


def _tc_merge_body(part_ref, blk_ref, out_ref):
    del part_ref
    out_ref[...] = blk_ref[...]


_MERGE_ROWS = 4096

_tc_merge = pl.pallas_call(
    _tc_merge_body,
    out_shape=jax.ShapeDtypeStruct((B, D), jnp.float32),
    grid=(B // _MERGE_ROWS,),
    in_specs=[
        pl.BlockSpec(memory_space=pl.ANY),
        pl.BlockSpec((_MERGE_ROWS, DB), lambda i: (i, 0)),
    ],
    out_specs=pl.BlockSpec((_MERGE_ROWS, DB), lambda i: (i, 0)),
    input_output_aliases={0: 0},
)


def kernel(x):
    blk = _sc_decode(x)
    part = _tc_copy(x)
    return _tc_merge(part, blk)

# --- scband reference (transcript-rebuilt; emitter-appended) ---
"""Pipeline reference for scband-bitwise-module-25606595018771 (READ-ONLY COPY).

The authoritative reference and input builder live on the scoring server;
editing this copy changes nothing except your own understanding.
"""

import jax, jax.numpy as jnp
import numpy as np

# _SetDim register-layout constants (neural_vm.vm_step._SetDim). The exact values are
# project-internal; we use a plausible non-overlapping layout within d_model=1024.
MARK_AX = 0
OP_AND = 1
OP_OR = 2
OP_XOR = 3
ALU_LO = 16
ALU_HI = 32
AX_CARRY_LO = 48
AX_CARRY_HI = 64
OUTPUT_LO = 80
OUTPUT_HI = 96

B = 8192
D_MODEL = 1024


def setup_inputs(seed: int = 0) -> dict:
    key = jax.random.key(seed)
    # uniform [0,1): op/mark dims exceed 0.5 with prob ~0.5, so a mix of
    # active AND/OR/XOR rows and inactive rows is exercised.
    x = jax.random.uniform(key, (B, D_MODEL), dtype=jnp.float32)
    return {"x": x}


def reference(x):
    Bn = x.shape[0]
    op_and = x[:, OP_AND]
    op_or = x[:, OP_OR]
    op_xor = x[:, OP_XOR]
    mark_ax = x[:, MARK_AX]
    active_and = (op_and > 0.5) & (mark_ax > 0.5)
    active_or = (op_or > 0.5) & (mark_ax > 0.5)
    active_xor = (op_xor > 0.5) & (mark_ax > 0.5)

    a_lo = jnp.argmax(x[:, ALU_LO:ALU_LO + 16], axis=-1)
    a_hi = jnp.argmax(x[:, ALU_HI:ALU_HI + 16], axis=-1)
    a = a_lo + 16 * a_hi
    b_lo = jnp.argmax(x[:, AX_CARRY_LO:AX_CARRY_LO + 16], axis=-1)
    b_hi = jnp.argmax(x[:, AX_CARRY_HI:AX_CARRY_HI + 16], axis=-1)
    b = b_lo + 16 * b_hi

    and_result = a & b
    or_result = a | b
    xor_result = a ^ b

    result = jnp.zeros((Bn,), dtype=a.dtype)
    result = jnp.where(active_and, and_result, result)
    result = jnp.where(active_or, or_result, result)
    result = jnp.where(active_xor, xor_result, result)

    r_lo = result % 16
    r_hi = result // 16

    active = active_and | active_or | active_xor
    vals = active.astype(x.dtype)  # 1.0 where active, 0.0 otherwise (no-op write)
    rows = jnp.arange(Bn)
    delta = jnp.zeros_like(x)
    delta = delta.at[rows, OUTPUT_LO + r_lo].set(vals)
    delta = delta.at[rows, OUTPUT_HI + r_hi].set(vals)
    return x + delta

if __name__ == "__main__":
    import jax
    _d = setup_inputs()
    print(jax.jit(kernel)(*tuple(_d.values())))

</pallas_src>

<mosaic_0001>
#map = affine_map<(d0, d1) -> (0, 0)>
module attributes {stable_mosaic.version = 14 : i64} {
  func.func @_sc_decode(%arg0: i32, %arg1: i32, %arg2: memref<8192x1024xf32, #tpu.memory_space<hbm>>, %arg3: memref<8192x128xf32, #tpu.memory_space<hbm>>, %arg4: memref<256x128xf32, #tpu.memory_space<vmem>>) attributes {dimension_semantics = [#tpu.dimension_semantics<core_parallel>, #tpu.dimension_semantics<subcore_parallel>], iteration_bounds = array<i64: 2, 16>, scalar_prefetch = 0 : i64, scratch_operands = 1 : i64, tpu.core_type = #tpu.core_type<sc_vector_subcore>, window_params = [{transform_indices = #map}, {transform_indices = #map}]} {
    %mul3A = arith.constant 2 : i32
    %mul3A_0 = arith.muli %arg1, %mul3A : i32
    %add3A = arith.addi %mul3A_0, %arg0 : i32
    %mul3A_1 = arith.constant 256 : i32
    %mul3A_2 = arith.muli %add3A, %mul3A_1 : i32
    "tpu.region"() ({
      %run_scoped3A = tpu.sem_alloc : memref<!tpu.dma_semaphore, #tpu.memory_space<semaphore_mem>>
      %dma_start3A = arith.constant 0 : i32
      %dma_start3A_8 = tpu.memref_slice %arg2[%mul3A_2, %dma_start3A] : memref<8192x1024xf32, #tpu.memory_space<hbm>> -> memref<256x128xf32, #tpu.memory_space<hbm>>
      %dma_start3A_9 = arith.constant 0 : i32
      %dma_start3A_10 = tpu.memref_slice %arg2[%mul3A_2, %dma_start3A_9] : memref<8192x1024xf32, #tpu.memory_space<hbm>> -> memref<256x128xf32, #tpu.memory_space<hbm>>
      tpu.enqueue_dma source(%dma_start3A_10 : memref<256x128xf32, #tpu.memory_space<hbm>>) target(%arg4 : memref<256x128xf32, #tpu.memory_space<vmem>>) target_semaphore(%run_scoped3A : memref<!tpu.dma_semaphore, #tpu.memory_space<semaphore_mem>>)
      %dma_wait3A = arith.constant 0 : i32
      %dma_wait3A_11 = tpu.memref_slice %arg2[%mul3A_2, %dma_wait3A] : memref<8192x1024xf32, #tpu.memory_space<hbm>> -> memref<256x128xf32, #tpu.memory_space<hbm>>
      %dma_wait3A_12 = arith.constant 0 : i32
      %dma_wait3A_13 = tpu.memref_slice %arg2[%mul3A_2, %dma_wait3A_12] : memref<8192x1024xf32, #tpu.memory_space<hbm>> -> memref<256x128xf32, #tpu.memory_space<hbm>>
      tpu.wait_dma2 semaphore(%run_scoped3A : memref<!tpu.dma_semaphore, #tpu.memory_space<semaphore_mem>>) src(%dma_wait3A_13 : memref<256x128xf32, #tpu.memory_space<hbm>>) dst(%arg4 : memref<256x128xf32, #tpu.memory_space<vmem>>)
      tpu.yield
    }) : () -> ()
    %scan3A = arith.constant 0 : i32
    %scan3A_3 = arith.constant 0 : i32
    %scan3A_4 = arith.constant 16 : i32
    %scan3A_5 = arith.addi %scan3A_3, %scan3A_4 : i32
    %scan3A_6 = arith.constant 1 : i32
    scf.for %scan3A_8 = %scan3A_3 to %scan3A_5 step %scan3A_6  : i32 {
      %iota3A = tpu.iota {dimensions = array<i32: 0>} : vector<16xi32>
      %mul3A_9 = arith.constant 16 : i32
      %mul3A_10 = arith.muli %scan3A_8, %mul3A_9 : i32
      %add3A_11 = vector.broadcast %mul3A_10 : i32 to vector<16xi32>
      %add3A_12 = arith.addi %iota3A, %add3A_11 : vector<16xi32>
      %broadcast_in_dim3A = arith.constant 0 : i32
      %broadcast_in_dim3A_13 = vector.broadcast %broadcast_in_dim3A : i32 to vector<16xi32>
      %gather3A = tpu.vector_load_idx %arg4[%add3A_12, %broadcast_in_dim3A_13] : memref<256x128xf32, #tpu.memory_space<vmem>>[vector<16xi32>, vector<16xi32>], vector<16xf32>,
      %gt3A = arith.constant 5.000000e-01 : f32
      %gt3A_14 = vector.broadcast %gt3A : f32 to vector<16xf32>
      %gt3A_15 = arith.cmpf ogt, %gather3A, %gt3A_14 : vector<16xf32>
      %broadcast_in_dim3A_16 = arith.constant 1 : i32
      %broadcast_in_dim3A_17 = vector.broadcast %broadcast_in_dim3A_16 : i32 to vector<16xi32>
      %gather3A_18 = tpu.vector_load_idx %arg4[%add3A_12, %broadcast_in_dim3A_17] : memref<256x128xf32, #tpu.memory_space<vmem>>[vector<16xi32>, vector<16xi32>], vector<16xf32>,
      %gt3A_19 = arith.constant 5.000000e-01 : f32
      %gt3A_20 = vector.broadcast %gt3A_19 : f32 to vector<16xf32>
      %gt3A_21 = arith.cmpf ogt, %gather3A_18, %gt3A_20 : vector<16xf32>
      %and3A = arith.andi %gt3A_21, %gt3A_15 : vector<16xi1>
      %broadcast_in_dim3A_22 = arith.constant 2 : i32
      %broadcast_in_dim3A_23 = vector.broadcast %broadcast_in_dim3A_22 : i32 to vector<16xi32>
      %gather3A_24 = tpu.vector_load_idx %arg4[%add3A_12, %broadcast_in_dim3A_23] : memref<256x128xf32, #tpu.memory_space<vmem>>[vector<16xi32>, vector<16xi32>], vector<16xf32>,
      %gt3A_25 = arith.constant 5.000000e-01 : f32
      %gt3A_26 = vector.broadcast %gt3A_25 : f32 to vector<16xf32>
      %gt3A_27 = arith.cmpf ogt, %gather3A_24, %gt3A_26 : vector<16xf32>
      %and3A_28 = arith.andi %gt3A_27, %gt3A_15 : vector<16xi1>
      %broadcast_in_dim3A_29 = arith.constant 3 : i32
      %broadcast_in_dim3A_30 = vector.broadcast %broadcast_in_dim3A_29 : i32 to vector<16xi32>
      %gather3A_31 = tpu.vector_load_idx %arg4[%add3A_12, %broadcast_in_dim3A_30] : memref<256x128xf32, #tpu.memory_space<vmem>>[vector<16xi32>, vector<16xi32>], vector<16xf32>,
      %gt3A_32 = arith.constant 5.000000e-01 : f32
      %gt3A_33 = vector.broadcast %gt3A_32 : f32 to vector<16xf32>
      %gt3A_34 = arith.cmpf ogt, %gather3A_31, %gt3A_33 : vector<16xf32>
      %and3A_35 = arith.andi %gt3A_34, %gt3A_15 : vector<16xi1>
      %broadcast_in_dim3A_36 = arith.constant 16 : i32
      %broadcast_in_dim3A_37 = vector.broadcast %broadcast_in_dim3A_36 : i32 to vector<16xi32>
      %gather3A_38 = tpu.vector_load_idx %arg4[%add3A_12, %broadcast_in_dim3A_37] : memref<256x128xf32, #tpu.memory_space<vmem>>[vector<16xi32>, vector<16xi32>], vector<16xf32>,
      %broadcast_in_dim3A_39 = arith.constant 0 : i32
      %broadcast_in_dim3A_40 = vector.broadcast %broadcast_in_dim3A_39 : i32 to vector<16xi32>
      %broadcast_in_dim3A_41 = arith.constant 17 : i32
      %broadcast_in_dim3A_42 = vector.broadcast %broadcast_in_dim3A_41 : i32 to vector<16xi32>
      %gather3A_43 = tpu.vector_load_idx %arg4[%add3A_12, %broadcast_in_dim3A_42] : memref<256x128xf32, #tpu.memory_space<vmem>>[vector<16xi32>, vector<16xi32>], vector<16xf32>,
      %gt3A_44 = arith.cmpf ogt, %gather3A_43, %gather3A_38 : vector<16xf32>
      %jit3A = arith.constant 1 : i32
      %broadcast_in_dim3A_45 = vector.broadcast %jit3A : i32 to vector<16xi32>
      %select_n3A = arith.select %gt3A_44, %broadcast_in_dim3A_45, %broadcast_in_dim3A_40 : vector<16xi1>, vector<16xi32>
      %select_n3A_46 = arith.select %gt3A_44, %gather3A_43, %gather3A_38 : vector<16xi1>, vector<16xf32>
      %broadcast_in_dim3A_47 = arith.constant 18 : i32
      %broadcast_in_dim3A_48 = vector.broadcast %broadcast_in_dim3A_47 : i32 to vector<16xi32>
      %gather3A_49 = tpu.vector_load_idx %arg4[%add3A_12, %broadcast_in_dim3A_48] : memref<256x128xf32, #tpu.memory_space<vmem>>[vector<16xi32>, vector<16xi32>], vector<16xf32>,
      %gt3A_50 = arith.cmpf ogt, %gather3A_49, %select_n3A_46 : vector<16xf32>
      %jit3A_51 = arith.constant 2 : i32
      %broadcast_in_dim3A_52 = vector.broadcast %jit3A_51 : i32 to vector<16xi32>
      %select_n3A_53 = arith.select %gt3A_50, %broadcast_in_dim3A_52, %select_n3A : vector<16xi1>, vector<16xi32>
      %select_n3A_54 = arith.select %gt3A_50, %gather3A_49, %select_n3A_46 : vector<16xi1>, vector<16xf32>
      %broadcast_in_dim3A_55 = arith.constant 19 : i32
      %broadcast_in_dim3A_56 = vector.broadcast %broadcast_in_dim3A_55 : i32 to vector<16xi32>
      %gather3A_57 = tpu.vector_load_idx %arg4[%add3A_12, %broadcast_in_dim3A_56] : memref<256x128xf32, #tpu.memory_space<vmem>>[vector<16xi32>, vector<16xi32>], vector<16xf32>,
      %gt3A_58 = arith.cmpf ogt, %gather3A_57, %select_n3A_54 : vector<16xf32>
      %jit3A_59 = arith.constant 3 : i32
      %broadcast_in_dim3A_60 = vector.broadcast %jit3A_59 : i32 to vector<16xi32>
      %select_n3A_61 = arith.select %gt3A_58, %broadcast_in_dim3A_60, %select_n3A_53 : vector<16xi1>, vector<16xi32>
      %select_n3A_62 = arith.select %gt3A_58, %gather3A_57, %select_n3A_54 : vector<16xi1>, vector<16xf32>
      %broadcast_in_dim3A_63 = arith.constant 20 : i32
      %broadcast_in_dim3A_64 = vector.broadcast %broadcast_in_dim3A_63 : i32 to vector<16xi32>
      %gather3A_65 = tpu.vector_load_idx %arg4[%add3A_12, %broadcast_in_dim3A_64] : memref<256x128xf32, #tpu.memory_space<vmem>>[vector<16xi32>, vector<16xi32>], vector<16xf32>,
      %gt3A_66 = arith.cmpf ogt, %gather3A_65, %select_n3A_62 : vector<16xf32>
      %jit3A_67 = arith.constant 4 : i32
      %broadcast_in_dim3A_68 = vector.broadcast %jit3A_67 : i32 to vector<16xi32>
      %select_n3A_69 = arith.select %gt3A_66, %broadcast_in_dim3A_68, %select_n3A_61 : vector<16xi1>, vector<16xi32>
      %select_n3A_70 = arith.select %gt3A_66, %gather3A_65, %select_n3A_62 : vector<16xi1>, vector<16xf32>
      %broadcast_in_dim3A_71 = arith.constant 21 : i32
      %broadcast_in_dim3A_72 = vector.broadcast %broadcast_in_dim3A_71 : i32 to vector<16xi32>
      %gather3A_73 = tpu.vector_load_idx %arg4[%add3A_12, %broadcast_in_dim3A_72] : memref<256x128xf32, #tpu.memory_space<vmem>>[vector<16xi32>, vector<16xi32>], vector<16xf32>,
      %gt3A_74 = arith.cmpf ogt, %gather3A_73, %select_n3A_70 : vector<16xf32>
      %jit3A_75 = arith.constant 5 : i32
      %broadcast_in_dim3A_76 = vector.broadcast %jit3A_75 : i32 to vector<16xi32>
      %select_n3A_77 = arith.select %gt3A_74, %broadcast_in_dim3A_76, %select_n3A_69 : vector<16xi1>, vector<16xi32>
      %select_n3A_78 = arith.select %gt3A_74, %gather3A_73, %select_n3A_70 : vector<16xi1>, vector<16xf32>
      %broadcast_in_dim3A_79 = arith.constant 22 : i32
      %broadcast_in_dim3A_80 = vector.broadcast %broadcast_in_dim3A_79 : i32 to vector<16xi32>
      %gather3A_81 = tpu.vector_load_idx %arg4[%add3A_12, %broadcast_in_dim3A_80] : memref<256x128xf32, #tpu.memory_space<vmem>>[vector<16xi32>, vector<16xi32>], vector<16xf32>,
      %gt3A_82 = arith.cmpf ogt, %gather3A_81, %select_n3A_78 : vector<16xf32>
      %jit3A_83 = arith.constant 6 : i32
      %broadcast_in_dim3A_84 = vector.broadcast %jit3A_83 : i32 to vector<16xi32>
      %select_n3A_85 = arith.select %gt3A_82, %broadcast_in_dim3A_84, %select_n3A_77 : vector<16xi1>, vector<16xi32>
      %select_n3A_86 = arith.select %gt3A_82, %gather3A_81, %select_n3A_78 : vector<16xi1>, vector<16xf32>
      %broadcast_in_dim3A_87 = arith.constant 23 : i32
      %broadcast_in_dim3A_88 = vector.broadcast %broadcast_in_dim3A_87 : i32 to vector<16xi32>
      %gather3A_89 = tpu.vector_load_idx %arg4[%add3A_12, %broadcast_in_dim3A_88] : memref<256x128xf32, #tpu.memory_space<vmem>>[vector<16xi32>, vector<16xi32>], vector<16xf32>,
      %gt3A_90 = arith.cmpf ogt, %gather3A_89, %select_n3A_86 : vector<16xf32>
      %jit3A_91 = arith.constant 7 : i32
      %broadcast_in_dim3A_92 = vector.broadcast %jit3A_91 : i32 to vector<16xi32>
      %select_n3A_93 = arith.select %gt3A_90, %broadcast_in_dim3A_92, %select_n3A_85 : vector<16xi1>, vector<16xi32>
      %select_n3A_94 = arith.select %gt3A_90, %gather3A_89, %select_n3A_86 : vector<16xi1>, vector<16xf32>
      %broadcast_in_dim3A_95 = arith.constant 24 : i32
      %broadcast_in_dim3A_96 = vector.broadcast %broadcast_in_dim3A_95 : i32 to vector<16xi32>
      %gather3A_97 = tpu.vector_load_idx %arg4[%add3A_12, %broadcast_in_dim3A_96] : memref<256x128xf32, #tpu.memory_space<vmem>>[vector<16xi32>, vector<16xi32>], vector<16xf32>,
      %gt3A_98 = arith.cmpf ogt, %gather3A_97, %select_n3A_94 : vector<16xf32>
      %jit3A_99 = arith.constant 8 : i32
      %broadcast_in_dim3A_100 = vector.broadcast %jit3A_99 : i32 to vector<16xi32>
      %select_n3A_101 = arith.select %gt3A_98, %broadcast_in_dim3A_100, %select_n3A_93 : vector<16xi1>, vector<16xi32>
      %select_n3A_102 = arith.select %gt3A_98, %gather3A_97, %select_n3A_94 : vector<16xi1>, vector<16xf32>
      %broadcast_in_dim3A_103 = arith.constant 25 : i32
      %broadcast_in_dim3A_104 = vector.broadcast %broadcast_in_dim3A_103 : i32 to vector<16xi32>
      %gather3A_105 = tpu.vector_load_idx %arg4[%add3A_12, %broadcast_in_dim3A_104] : memref<256x128xf32, #tpu.memory_space<vmem>>[vector<16xi32>, vector<16xi32>], vector<16xf32>,
      %gt3A_106 = arith.cmpf ogt, %gather3A_105, %select_n3A_102 : vector<16xf32>
      %jit3A_107 = arith.constant 9 : i32
      %broadcast_in_dim3A_108 = vector.broadcast %jit3A_107 : i32 to vector<16xi32>
      %select_n3A_109 = arith.select %gt3A_106, %broadcast_in_dim3A_108, %select_n3A_101 : vector<16xi1>, vector<16xi32>
      %select_n3A_110 = arith.select %gt3A_106, %gather3A_105, %select_n3A_102 : vector<16xi1>, vector<16xf32>
      %broadcast_in_dim3A_111 = arith.constant 26 : i32
      %broadcast_in_dim3A_112 = vector.broadcast %broadcast_in_dim3A_111 : i32 to vector<16xi32>
      %gather3A_113 = tpu.vector_load_idx %arg4[%add3A_12, %broadcast_in_dim3A_112] : memref<256x128xf32, #tpu.memory_space<vmem>>[vector<16xi32>, vector<16xi32>], vector<16xf32>,
      %gt3A_114 = arith.cmpf ogt, %gather3A_113, %select_n3A_110 : vector<16xf32>
      %jit3A_115 = arith.constant 10 : i32
      %broadcast_in_dim3A_116 = vector.broadcast %jit3A_115 : i32 to vector<16xi32>
      %select_n3A_117 = arith.select %gt3A_114, %broadcast_in_dim3A_116, %select_n3A_109 : vector<16xi1>, vector<16xi32>
      %select_n3A_118 = arith.select %gt3A_114, %gather3A_113, %select_n3A_110 : vector<16xi1>, vector<16xf32>
      %broadcast_in_dim3A_119 = arith.constant 27 : i32
      %broadcast_in_dim3A_120 = vector.broadcast %broadcast_in_dim3A_119 : i32 to vector<16xi32>
      %gather3A_121 = tpu.vector_load_idx %arg4[%add3A_12, %broadcast_in_dim3A_120] : memref<256x128xf32, #tpu.memory_space<vmem>>[vector<16xi32>, vector<16xi32>], vector<16xf32>,
      %gt3A_122 = arith.cmpf ogt, %gather3A_121, %select_n3A_118 : vector<16xf32>
      %jit3A_123 = arith.constant 11 : i32
      %broadcast_in_dim3A_124 = vector.broadcast %jit3A_123 : i32 to vector<16xi32>
      %select_n3A_125 = arith.select %gt3A_122, %broadcast_in_dim3A_124, %select_n3A_117 : vector<16xi1>, vector<16xi32>
      %select_n3A_126 = arith.select %gt3A_122, %gather3A_121, %select_n3A_118 : vector<16xi1>, vector<16xf32>
      %broadcast_in_dim3A_127 = arith.constant 28 : i32
      %broadcast_in_dim3A_128 = vector.broadcast %broadcast_in_dim3A_127 : i32 to vector<16xi32>
      %gather3A_129 = tpu.vector_load_idx %arg4[%add3A_12, %broadcast_in_dim3A_128] : memref<256x128xf32, #tpu.memory_space<vmem>>[vector<16xi32>, vector<16xi32>], vector<16xf32>,
      %gt3A_130 = arith.cmpf ogt, %gather3A_129, %select_n3A_126 : vector<16xf32>
      %jit3A_131 = arith.constant 12 : i32
      %broadcast_in_dim3A_132 = vector.broadcast %jit3A_131 : i32 to vector<16xi32>
      %select_n3A_133 = arith.select %gt3A_130, %broadcast_in_dim3A_132, %select_n3A_125 : vector<16xi1>, vector<16xi32>
      %select_n3A_134 = arith.select %gt3A_130, %gather3A_129, %select_n3A_126 : vector<16xi1>, vector<16xf32>
      %broadcast_in_dim3A_135 = arith.constant 29 : i32
      %broadcast_in_dim3A_136 = vector.broadcast %broadcast_in_dim3A_135 : i32 to vector<16xi32>
      %gather3A_137 = tpu.vector_load_idx %arg4[%add3A_12, %broadcast_in_dim3A_136] : memref<256x128xf32, #tpu.memory_space<vmem>>[vector<16xi32>, vector<16xi32>], vector<16xf32>,
      %gt3A_138 = arith.cmpf ogt, %gather3A_137, %select_n3A_134 : vector<16xf32>
      %jit3A_139 = arith.constant 13 : i32
      %broadcast_in_dim3A_140 = vector.broadcast %jit3A_139 : i32 to vector<16xi32>
      %select_n3A_141 = arith.select %gt3A_138, %broadcast_in_dim3A_140, %select_n3A_133 : vector<16xi1>, vector<16xi32>
      %select_n3A_142 = arith.select %gt3A_138, %gather3A_137, %select_n3A_134 : vector<16xi1>, vector<16xf32>
      %broadcast_in_dim3A_143 = arith.constant 30 : i32
      %broadcast_in_dim3A_144 = vector.broadcast %broadcast_in_dim3A_143 : i32 to vector<16xi32>
      %gather3A_145 = tpu.vector_load_idx %arg4[%add3A_12, %broadcast_in_dim3A_144] : memref<256x128xf32, #tpu.memory_space<vmem>>[vector<16xi32>, vector<16xi32>], vector<16xf32>,
      %gt3A_146 = arith.cmpf ogt, %gather3A_145, %select_n3A_142 : vector<16xf32>
      %jit3A_147 = arith.constant 14 : i32
      %broadcast_in_dim3A_148 = vector.broadcast %jit3A_147 : i32 to vector<16xi32>
      %select_n3A_149 = arith.select %gt3A_146, %broadcast_in_dim3A_148, %select_n3A_141 : vector<16xi1>, vector<16xi32>
      %select_n3A_150 = arith.select %gt3A_146, %gather3A_145, %select_n3A_142 : vector<16xi1>, vector<16xf32>
      %broadcast_in_dim3A_151 = arith.constant 31 : i32
      %broadcast_in_dim3A_152 = vector.broadcast %broadcast_in_dim3A_151 : i32 to vector<16xi32>
      %gather3A_153 = tpu.vector_load_idx %arg4[%add3A_12, %broadcast_in_dim3A_152] : memref<256x128xf32, #tpu.memory_space<vmem>>[vector<16xi32>, vector<16xi32>], vector<16xf32>,
      %gt3A_154 = arith.cmpf ogt, %gather3A_153, %select_n3A_150 : vector<16xf32>
      %jit3A_155 = arith.constant 15 : i32
      %broadcast_in_dim3A_156 = vector.broadcast %jit3A_155 : i32 to vector<16xi32>
      %select_n3A_157 = arith.select %gt3A_154, %broadcast_in_dim3A_156, %select_n3A_149 : vector<16xi1>, vector<16xi32>
      %select_n3A_158 = arith.select %gt3A_154, %gather3A_153, %select_n3A_150 : vector<16xi1>, vector<16xf32>
      %broadcast_in_dim3A_159 = arith.constant 32 : i32
      %broadcast_in_dim3A_160 = vector.broadcast %broadcast_in_dim3A_159 : i32 to vector<16xi32>
      %gather3A_161 = tpu.vector_load_idx %arg4[%add3A_12, %broadcast_in_dim3A_160] : memref<256x128xf32, #tpu.memory_space<vmem>>[vector<16xi32>, vector<16xi32>], vector<16xf32>,
      %broadcast_in_dim3A_162 = arith.constant 0 : i32
      %broadcast_in_dim3A_163 = vector.broadcast %broadcast_in_dim3A_162 : i32 to vector<16xi32>
      %broadcast_in_dim3A_164 = arith.constant 33 : i32
      %broadcast_in_dim3A_165 = vector.broadcast %broadcast_in_dim3A_164 : i32 to vector<16xi32>
      %gather3A_166 = tpu.vector_load_idx %arg4[%add3A_12, %broadcast_in_dim3A_165] : memref<256x128xf32, #tpu.memory_space<vmem>>[vector<16xi32>, vector<16xi32>], vector<16xf32>,
      %gt3A_167 = arith.cmpf ogt, %gather3A_166, %gather3A_161 : vector<16xf32>
      %jit3A_168 = arith.constant 1 : i32
      %broadcast_in_dim3A_169 = vector.broadcast %jit3A_168 : i32 to vector<16xi32>
      %select_n3A_170 = arith.select %gt3A_167, %broadcast_in_dim3A_169, %broadcast_in_dim3A_163 : vector<16xi1>, vector<16xi32>
      %select_n3A_171 = arith.select %gt3A_167, %gather3A_166, %gather3A_161 : vector<16xi1>, vector<16xf32>
      %broadcast_in_dim3A_172 = arith.constant 34 : i32
      %broadcast_in_dim3A_173 = vector.broadcast %broadcast_in_dim3A_172 : i32 to vector<16xi32>
      %gather3A_174 = tpu.vector_load_idx %arg4[%add3A_12, %broadcast_in_dim3A_173] : memref<256x128xf32, #tpu.memory_space<vmem>>[vector<16xi32>, vector<16xi32>], vector<16xf32>,
      %gt3A_175 = arith.cmpf ogt, %gather3A_174, %select_n3A_171 : vector<16xf32>
      %jit3A_176 = arith.constant 2 : i32
      %broadcast_in_dim3A_177 = vector.broadcast %jit3A_176 : i32 to vector<16xi32>
      %select_n3A_178 = arith.select %gt3A_175, %broadcast_in_dim3A_177, %select_n3A_170 : vector<16xi1>, vector<16xi32>
      %select_n3A_179 = arith.select %gt3A_175, %gather3A_174, %select_n3A_171 : vector<16xi1>, vector<16xf32>
      %broadcast_in_dim3A_180 = arith.constant 35 : i32
      %broadcast_in_dim3A_181 = vector.broadcast %broadcast_in_dim3A_180 : i32 to vector<16xi32>
      %gather3A_182 = tpu.vector_load_idx %arg4[%add3A_12, %broadcast_in_dim3A_181] : memref<256x128xf32, #tpu.memory_space<vmem>>[vector<16xi32>, vector<16xi32>], vector<16xf32>,
      %gt3A_183 = arith.cmpf ogt, %gather3A_182, %select_n3A_179 : vector<16xf32>
      %jit3A_184 = arith.constant 3 : i32
      %broadcast_in_dim3A_185 = vector.broadcast %jit3A_184 : i32 to vector<16xi32>
      %select_n3A_186 = arith.select %gt3A_183, %broadcast_in_dim3A_185, %select_n3A_178 : vector<16xi1>, vector<16xi32>
      %select_n3A_187 = arith.select %gt3A_183, %gather3A_182, %select_n3A_179 : vector<16xi1>, vector<16xf32>
      %broadcast_in_dim3A_188 = arith.constant 36 : i32
      %broadcast_in_dim3A_189 = vector.broadcast %broadcast_in_dim3A_188 : i32 to vector<16xi32>
      %gather3A_190 = tpu.vector_load_idx %arg4[%add3A_12, %broadcast_in_dim3A_189] : memref<256x128xf32, #tpu.memory_space<vmem>>[vector<16xi32>, vector<16xi32>], vector<16xf32>,
      %gt3A_191 = arith.cmpf ogt, %gather3A_190, %select_n3A_187 : vector<16xf32>
      %jit3A_192 = arith.constant 4 : i32
      %broadcast_in_dim3A_193 = vector.broadcast %jit3A_192 : i32 to vector<16xi32>
      %select_n3A_194 = arith.select %gt3A_191, %broadcast_in_dim3A_193, %select_n3A_186 : vector<16xi1>, vector<16xi32>
      %select_n3A_195 = arith.select %gt3A_191, %gather3A_190, %select_n3A_187 : vector<16xi1>, vector<16xf32>
      %broadcast_in_dim3A_196 = arith.constant 37 : i32
      %broadcast_in_dim3A_197 = vector.broadcast %broadcast_in_dim3A_196 : i32 to vector<16xi32>
      %gather3A_198 = tpu.vector_load_idx %arg4[%add3A_12, %broadcast_in_dim3A_197] : memref<256x128xf32, #tpu.memory_space<vmem>>[vector<16xi32>, vector<16xi32>], vector<16xf32>,
      %gt3A_199 = arith.cmpf ogt, %gather3A_198, %select_n3A_195 : vector<16xf32>
      %jit3A_200 = arith.constant 5 : i32
      %broadcast_in_dim3A_201 = vector.broadcast %jit3A_200 : i32 to vector<16xi32>
      %select_n3A_202 = arith.select %gt3A_199, %broadcast_in_dim3A_201, %select_n3A_194 : vector<16xi1>, vector<16xi32>
      %select_n3A_203 = arith.select %gt3A_199, %gather3A_198, %select_n3A_195 : vector<16xi1>, vector<16xf32>
      %broadcast_in_dim3A_204 = arith.constant 38 : i32
      %broadcast_in_dim3A_205 = vector.broadcast %broadcast_in_dim3A_204 : i32 to vector<16xi32>
      %gather3A_206 = tpu.vector_load_idx %arg4[%add3A_12, %broadcast_in_dim3A_205] : memref<256x128xf32, #tpu.memory_space<vmem>>[vector<16xi32>, vector<16xi32>], vector<16xf32>,
      %gt3A_207 = arith.cmpf ogt, %gather3A_206, %select_n3A_203 : vector<16xf32>
      %jit3A_208 = arith.constant 6 : i32
      %broadcast_in_dim3A_209 = vector.broadcast %jit3A_208 : i32 to vector<16xi32>
      %select_n3A_210 = arith.select %gt3A_207, %broadcast_in_dim3A_209, %select_n3A_202 : vector<16xi1>, vector<16xi32>
      %select_n3A_211 = arith.select %gt3A_207, %gather3A_206, %select_n3A_203 : vector<16xi1>, vector<16xf32>
      %broadcast_in_dim3A_212 = arith.constant 39 : i32
      %broadcast_in_dim3A_213 = vector.broadcast %broadcast_in_dim3A_212 : i32 to vector<16xi32>
      %gather3A_214 = tpu.vector_load_idx %arg4[%add3A_12, %broadcast_in_dim3A_213] : memref<256x128xf32, #tpu.memory_space<vmem>>[vector<16xi32>, vector<16xi32>], vector<16xf32>,
      %gt3A_215 = arith.cmpf ogt, %gather3A_214, %select_n3A_211 : vector<16xf32>
      %jit3A_216 = arith.constant 7 : i32
      %broadcast_in_dim3A_217 = vector.broadcast %jit3A_216 : i32 to vector<16xi32>
      %select_n3A_218 = arith.select %gt3A_215, %broadcast_in_dim3A_217, %select_n3A_210 : vector<16xi1>, vector<16xi32>
      %select_n3A_219 = arith.select %gt3A_215, %gather3A_214, %select_n3A_211 : vector<16xi1>, vector<16xf32>
      %broadcast_in_dim3A_220 = arith.constant 40 : i32
      %broadcast_in_dim3A_221 = vector.broadcast %broadcast_in_dim3A_220 : i32 to vector<16xi32>
      %gather3A_222 = tpu.vector_load_idx %arg4[%add3A_12, %broadcast_in_dim3A_221] : memref<256x128xf32, #tpu.memory_space<vmem>>[vector<16xi32>, vector<16xi32>], vector<16xf32>,
      %gt3A_223 = arith.cmpf ogt, %gather3A_222, %select_n3A_219 : vector<16xf32>
      %jit3A_224 = arith.constant 8 : i32
      %broadcast_in_dim3A_225 = vector.broadcast %jit3A_224 : i32 to vector<16xi32>
      %select_n3A_226 = arith.select %gt3A_223, %broadcast_in_dim3A_225, %select_n3A_218 : vector<16xi1>, vector<16xi32>
      %select_n3A_227 = arith.select %gt3A_223, %gather3A_222, %select_n3A_219 : vector<16xi1>, vector<16xf32>
      %broadcast_in_dim3A_228 = arith.constant 41 : i32
      %broadcast_in_dim3A_229 = vector.broadcast %broadcast_in_dim3A_228 : i32 to vector<16xi32>
      %gather3A_230 = tpu.vector_load_idx %arg4[%add3A_12, %broadcast_in_dim3A_229] : memref<256x128xf32, #tpu.memory_space<vmem>>[vector<16xi32>, vector<16xi32>], vector<16xf32>,
      %gt3A_231 = arith.cmpf ogt, %gather3A_230, %select_n3A_227 : vector<16xf32>
      %jit3A_232 = arith.constant 9 : i32
      %broadcast_in_dim3A_233 = vector.broadcast %jit3A_232 : i32 to vector<16xi32>
      %select_n3A_234 = arith.select %gt3A_231, %broadcast_in_dim3A_233, %select_n3A_226 : vector<16xi1>, vector<16xi32>
      %select_n3A_235 = arith.select %gt3A_231, %gather3A_230, %select_n3A_227 : vector<16xi1>, vector<16xf32>
      %broadcast_in_dim3A_236 = arith.constant 42 : i32
      %broadcast_in_dim3A_237 = vector.broadcast %broadcast_in_dim3A_236 : i32 to vector<16xi32>
      %gather3A_238 = tpu.vector_load_idx %arg4[%add3A_12, %broadcast_in_dim3A_237] : memref<256x128xf32, #tpu.memory_space<vmem>>[vector<16xi32>, vector<16xi32>], vector<16xf32>,
      %gt3A_239 = arith.cmpf ogt, %gather3A_238, %select_n3A_235 : vector<16xf32>
      %jit3A_240 = arith.constant 10 : i32
      %broadcast_in_dim3A_241 = vector.broadcast %jit3A_240 : i32 to vector<16xi32>
      %select_n3A_242 = arith.select %gt3A_239, %broadcast_in_dim3A_241, %select_n3A_234 : vector<16xi1>, vector<16xi32>
      %select_n3A_243 = arith.select %gt3A_239, %gather3A_238, %select_n3A_235 : vector<16xi1>, vector<16xf32>
      %broadcast_in_dim3A_244 = arith.constant 43 : i32
      %broadcast_in_dim3A_245 = vector.broadcast %broadcast_in_dim3A_244 : i32 to vector<16xi32>
      %gather3A_246 = tpu.vector_load_idx %arg4[%add3A_12, %broadcast_in_dim3A_245] : memref<256x128xf32, #tpu.memory_space<vmem>>[vector<16xi32>, vector<16xi32>], vector<16xf32>,
      %gt3A_247 = arith.cmpf ogt, %gather3A_246, %select_n3A_243 : vector<16xf32>
      %jit3A_248 = arith.constant 11 : i32
      %broadcast_in_dim3A_249 = vector.broadcast %jit3A_248 : i32 to vector<16xi32>
      %select_n3A_250 = arith.select %gt3A_247, %broadcast_in_dim3A_249, %select_n3A_242 : vector<16xi1>, vector<16xi32>
      %select_n3A_251 = arith.select %gt3A_247, %gather3A_246, %select_n3A_243 : vector<16xi1>, vector<16xf32>
      %broadcast_in_dim3A_252 = arith.constant 44 : i32
      %broadcast_in_dim3A_253 = vector.broadcast %broadcast_in_dim3A_252 : i32 to vector<16xi32>
      %gather3A_254 = tpu.vector_load_idx %arg4[%add3A_12, %broadcast_in_dim3A_253] : memref<256x128xf32, #tpu.memory_space<vmem>>[vector<16xi32>, vector<16xi32>], vector<16xf32>,
      %gt3A_255 = arith.cmpf ogt, %gather3A_254, %select_n3A_251 : vector<16xf32>
      %jit3A_256 = arith.constant 12 : i32
      %broadcast_in_dim3A_257 = vector.broadcast %jit3A_256 : i32 to vector<16xi32>
      %select_n3A_258 = arith.select %gt3A_255, %broadcast_in_dim3A_257, %select_n3A_250 : vector<16xi1>, vector<16xi32>
      %select_n3A_259 = arith.select %gt3A_255, %gather3A_254, %select_n3A_251 : vector<16xi1>, vector<16xf32>
      %broadcast_in_dim3A_260 = arith.constant 45 : i32
      %broadcast_in_dim3A_261 = vector.broadcast %broadcast_in_dim3A_260 : i32 to vector<16xi32>
      %gather3A_262 = tpu.vector_load_idx %arg4[%add3A_12, %broadcast_in_dim3A_261] : memref<256x128xf32, #tpu.memory_space<vmem>>[vector<16xi32>, vector<16xi32>], vector<16xf32>,
      %gt3A_263 = arith.cmpf ogt, %gather3A_262, %select_n3A_259 : vector<16xf32>
      %jit3A_264 = arith.constant 13 : i32
      %broadcast_in_dim3A_265 = vector.broadcast %jit3A_264 : i32 to vector<16xi32>
      %select_n3A_266 = arith.select %gt3A_263, %broadcast_in_dim3A_265, %select_n3A_258 : vector<16xi1>, vector<16xi32>
      %select_n3A_267 = arith.select %gt3A_263, %gather3A_262, %select_n3A_259 : vector<16xi1>, vector<16xf32>
      %broadcast_in_dim3A_268 = arith.constant 46 : i32
      %broadcast_in_dim3A_269 = vector.broadcast %broadcast_in_dim3A_268 : i32 to vector<16xi32>
      %gather3A_270 = tpu.vector_load_idx %arg4[%add3A_12, %broadcast_in_dim3A_269] : memref<256x128xf32, #tpu.memory_space<vmem>>[vector<16xi32>, vector<16xi32>], vector<16xf32>,
      %gt3A_271 = arith.cmpf ogt, %gather3A_270, %select_n3A_267 : vector<16xf32>
      %jit3A_272 = arith.constant 14 : i32
      %broadcast_in_dim3A_273 = vector.broadcast %jit3A_272 : i32 to vector<16xi32>
      %select_n3A_274 = arith.select %gt3A_271, %broadcast_in_dim3A_273, %select_n3A_266 : vector<16xi1>, vector<16xi32>
      %select_n3A_275 = arith.select %gt3A_271, %gather3A_270, %select_n3A_267 : vector<16xi1>, vector<16xf32>
      %broadcast_in_dim3A_276 = arith.constant 47 : i32
      %broadcast_in_dim3A_277 = vector.broadcast %broadcast_in_dim3A_276 : i32 to vector<16xi32>
      %gather3A_278 = tpu.vector_load_idx %arg4[%add3A_12, %broadcast_in_dim3A_277] : memref<256x128xf32, #tpu.memory_space<vmem>>[vector<16xi32>, vector<16xi32>], vector<16xf32>,
      %gt3A_279 = arith.cmpf ogt, %gather3A_278, %select_n3A_275 : vector<16xf32>
      %jit3A_280 = arith.constant 15 : i32
      %broadcast_in_dim3A_281 = vector.broadcast %jit3A_280 : i32 to vector<16xi32>
      %select_n3A_282 = arith.select %gt3A_279, %broadcast_in_dim3A_281, %select_n3A_274 : vector<16xi1>, vector<16xi32>
      %select_n3A_283 = arith.select %gt3A_279, %gather3A_278, %select_n3A_275 : vector<16xi1>, vector<16xf32>
      %mul3A_284 = arith.constant 16 : i32
      %mul3A_285 = vector.broadcast %mul3A_284 : i32 to vector<16xi32>
      %mul3A_286 = arith.muli %mul3A_285, %select_n3A_282 : vector<16xi32>
      %add3A_287 = arith.addi %select_n3A_157, %mul3A_286 : vector<16xi32>
      %broadcast_in_dim3A_288 = arith.constant 48 : i32
      %broadcast_in_dim3A_289 = vector.broadcast %broadcast_in_dim3A_288 : i32 to vector<16xi32>
      %gather3A_290 = tpu.vector_load_idx %arg4[%add3A_12, %broadcast_in_dim3A_289] : memref<256x128xf32, #tpu.memory_space<vmem>>[vector<16xi32>, vector<16xi32>], vector<16xf32>,
      %broadcast_in_dim3A_291 = arith.constant 0 : i32
      %broadcast_in_dim3A_292 = vector.broadcast %broadcast_in_dim3A_291 : i32 to vector<16xi32>
      %broadcast_in_dim3A_293 = arith.constant 49 : i32
      %broadcast_in_dim3A_294 = vector.broadcast %broadcast_in_dim3A_293 : i32 to vector<16xi32>
      %gather3A_295 = tpu.vector_load_idx %arg4[%add3A_12, %broadcast_in_dim3A_294] : memref<256x128xf32, #tpu.memory_space<vmem>>[vector<16xi32>, vector<16xi32>], vector<16xf32>,
      %gt3A_296 = arith.cmpf ogt, %gather3A_295, %gather3A_290 : vector<16xf32>
      %jit3A_297 = arith.constant 1 : i32
      %broadcast_in_dim3A_298 = vector.broadcast %jit3A_297 : i32 to vector<16xi32>
      %select_n3A_299 = arith.select %gt3A_296, %broadcast_in_dim3A_298, %broadcast_in_dim3A_292 : vector<16xi1>, vector<16xi32>
      %select_n3A_300 = arith.select %gt3A_296, %gather3A_295, %gather3A_290 : vector<16xi1>, vector<16xf32>
      %broadcast_in_dim3A_301 = arith.constant 50 : i32
      %broadcast_in_dim3A_302 = vector.broadcast %broadcast_in_dim3A_301 : i32 to vector<16xi32>
      %gather3A_303 = tpu.vector_load_idx %arg4[%add3A_12, %broadcast_in_dim3A_302] : memref<256x128xf32, #tpu.memory_space<vmem>>[vector<16xi32>, vector<16xi32>], vector<16xf32>,
      %gt3A_304 = arith.cmpf ogt, %gather3A_303, %select_n3A_300 : vector<16xf32>
      %jit3A_305 = arith.constant 2 : i32
      %broadcast_in_dim3A_306 = vector.broadcast %jit3A_305 : i32 to vector<16xi32>
      %select_n3A_307 = arith.select %gt3A_304, %broadcast_in_dim3A_306, %select_n3A_299 : vector<16xi1>, vector<16xi32>
      %select_n3A_308 = arith.select %gt3A_304, %gather3A_303, %select_n3A_300 : vector<16xi1>, vector<16xf32>
      %broadcast_in_dim3A_309 = arith.constant 51 : i32
      %broadcast_in_dim3A_310 = vector.broadcast %broadcast_in_dim3A_309 : i32 to vector<16xi32>
      %gather3A_311 = tpu.vector_load_idx %arg4[%add3A_12, %broadcast_in_dim3A_310] : memref<256x128xf32, #tpu.memory_space<vmem>>[vector<16xi32>, vector<16xi32>], vector<16xf32>,
      %gt3A_312 = arith.cmpf ogt, %gather3A_311, %select_n3A_308 : vector<16xf32>
      %jit3A_313 = arith.constant 3 : i32
      %broadcast_in_dim3A_314 = vector.broadcast %jit3A_313 : i32 to vector<16xi32>
      %select_n3A_315 = arith.select %gt3A_312, %broadcast_in_dim3A_314, %select_n3A_307 : vector<16xi1>, vector<16xi32>
      %select_n3A_316 = arith.select %gt3A_312, %gather3A_311, %select_n3A_308 : vector<16xi1>, vector<16xf32>
      %broadcast_in_dim3A_317 = arith.constant 52 : i32
      %broadcast_in_dim3A_318 = vector.broadcast %broadcast_in_dim3A_317 : i32 to vector<16xi32>
      %gather3A_319 = tpu.vector_load_idx %arg4[%add3A_12, %broadcast_in_dim3A_318] : memref<256x128xf32, #tpu.memory_space<vmem>>[vector<16xi32>, vector<16xi32>], vector<16xf32>,
      %gt3A_320 = arith.cmpf ogt, %gather3A_319, %select_n3A_316 : vector<16xf32>
      %jit3A_321 = arith.constant 4 : i32
      %broadcast_in_dim3A_322 = vector.broadcast %jit3A_321 : i32 to vector<16xi32>
      %select_n3A_323 = arith.select %gt3A_320, %broadcast_in_dim3A_322, %select_n3A_315 : vector<16xi1>, vector<16xi32>
      %select_n3A_324 = arith.select %gt3A_320, %gather3A_319, %select_n3A_316 : vector<16xi1>, vector<16xf32>
      %broadcast_in_dim3A_325 = arith.constant 53 : i32
      %broadcast_in_dim3A_326 = vector.broadcast %broadcast_in_dim3A_325 : i32 to vector<16xi32>
      %gather3A_327 = tpu.vector_load_idx %arg4[%add3A_12, %broadcast_in_dim3A_326] : memref<256x128xf32, #tpu.memory_space<vmem>>[vector<16xi32>, vector<16xi32>], vector<16xf32>,
      %gt3A_328 = arith.cmpf ogt, %gather3A_327, %select_n3A_324 : vector<16xf32>
      %jit3A_329 = arith.constant 5 : i32
      %broadcast_in_dim3A_330 = vector.broadcast %jit3A_329 : i32 to vector<16xi32>
      %select_n3A_331 = arith.select %gt3A_328, %broadcast_in_dim3A_330, %select_n3A_323 : vector<16xi1>, vector<16xi32>
      %select_n3A_332 = arith.select %gt3A_328, %gather3A_327, %select_n3A_324 : vector<16xi1>, vector<16xf32>
      %broadcast_in_dim3A_333 = arith.constant 54 : i32
      %broadcast_in_dim3A_334 = vector.broadcast %broadcast_in_dim3A_333 : i32 to vector<16xi32>
      %gather3A_335 = tpu.vector_load_idx %arg4[%add3A_12, %broadcast_in_dim3A_334] : memref<256x128xf32, #tpu.memory_space<vmem>>[vector<16xi32>, vector<16xi32>], vector<16xf32>,
      %gt3A_336 = arith.cmpf ogt, %gather3A_335, %select_n3A_332 : vector<16xf32>
      %jit3A_337 = arith.constant 6 : i32
      %broadcast_in_dim3A_338 = vector.broadcast %jit3A_337 : i32 to vector<16xi32>
      %select_n3A_339 = arith.select %gt3A_336, %broadcast_in_dim3A_338, %select_n3A_331 : vector<16xi1>, vector<16xi32>
      %select_n3A_340 = arith.select %gt3A_336, %gather3A_335, %select_n3A_332 : vector<16xi1>, vector<16xf32>
      %broadcast_in_dim3A_341 = arith.constant 55 : i32
      %broadcast_in_dim3A_342 = vector.broadcast %broadcast_in_dim3A_341 : i32 to vector<16xi32>
      %gather3A_343 = tpu.vector_load_idx %arg4[%add3A_12, %broadcast_in_dim3A_342] : memref<256x128xf32, #tpu.memory_space<vmem>>[vector<16xi32>, vector<16xi32>], vector<16xf32>,
      %gt3A_344 = arith.cmpf ogt, %gather3A_343, %select_n3A_340 : vector<16xf32>
      %jit3A_345 = arith.constant 7 : i32
      %broadcast_in_dim3A_346 = vector.broadcast %jit3A_345 : i32 to vector<16xi32>
      %select_n3A_347 = arith.select %gt3A_344, %broadcast_in_dim3A_346, %select_n3A_339 : vector<16xi1>, vector<16xi32>
      %select_n3A_348 = arith.select %gt3A_344, %gather3A_343, %select_n3A_340 : vector<16xi1>, vector<16xf32>
      %broadcast_in_dim3A_349 = arith.constant 56 : i32
      %broadcast_in_dim3A_350 = vector.broadcast %broadcast_in_dim3A_349 : i32 to vector<16xi32>
      %gather3A_351 = tpu.vector_load_idx %arg4[%add3A_12, %broadcast_in_dim3A_350] : memref<256x128xf32, #tpu.memory_space<vmem>>[vector<16xi32>, vector<16xi32>], vector<16xf32>,
      %gt3A_352 = arith.cmpf ogt, %gather3A_351, %select_n3A_348 : vector<16xf32>
      %jit3A_353 = arith.constant 8 : i32
      %broadcast_in_dim3A_354 = vector.broadcast %jit3A_353 : i32 to vector<16xi32>
      %select_n3A_355 = arith.select %gt3A_352, %broadcast_in_dim3A_354, %select_n3A_347 : vector<16xi1>, vector<16xi32>
      %select_n3A_356 = arith.select %gt3A_352, %gather3A_351, %select_n3A_348 : vector<16xi1>, vector<16xf32>
      %broadcast_in_dim3A_357 = arith.constant 57 : i32
      %broadcast_in_dim3A_358 = vector.broadcast %broadcast_in_dim3A_357 : i32 to vector<16xi32>
      %gather3A_359 = tpu.vector_load_idx %arg4[%add3A_12, %broadcast_in_dim3A_358] : memref<256x128xf32, #tpu.memory_space<vmem>>[vector<16xi32>, vector<16xi32>], vector<16xf32>,
      %gt3A_360 = arith.cmpf ogt, %gather3A_359, %select_n3A_356 : vector<16xf32>
      %jit3A_361 = arith.constant 9 : i32
      %broadcast_in_dim3A_362 = vector.broadcast %jit3A_361 : i32 to vector<16xi32>
      %select_n3A_363 = arith.select %gt3A_360, %broadcast_in_dim3A_362, %select_n3A_355 : vector<16xi1>, vector<16xi32>
      %select_n3A_364 = arith.select %gt3A_360, %gather3A_359, %select_n3A_356 : vector<16xi1>, vector<16xf32>
      %broadcast_in_dim3A_365 = arith.constant 58 : i32
      %broadcast_in_dim3A_366 = vector.broadcast %broadcast_in_dim3A_365 : i32 to vector<16xi32>
      %gather3A_367 = tpu.vector_load_idx %arg4[%add3A_12, %broadcast_in_dim3A_366] : memref<256x128xf32, #tpu.memory_space<vmem>>[vector<16xi32>, vector<16xi32>], vector<16xf32>,
      %gt3A_368 = arith.cmpf ogt, %gather3A_367, %select_n3A_364 : vector<16xf32>
      %jit3A_369 = arith.constant 10 : i32
      %broadcast_in_dim3A_370 = vector.broadcast %jit3A_369 : i32 to vector<16xi32>
      %select_n3A_371 = arith.select %gt3A_368, %broadcast_in_dim3A_370, %select_n3A_363 : vector<16xi1>, vector<16xi32>
      %select_n3A_372 = arith.select %gt3A_368, %gather3A_367, %select_n3A_364 : vector<16xi1>, vector<16xf32>
      %broadcast_in_dim3A_373 = arith.constant 59 : i32
      %broadcast_in_dim3A_374 = vector.broadcast %broadcast_in_dim3A_373 : i32 to vector<16xi32>
      %gather3A_375 = tpu.vector_load_idx %arg4[%add3A_12, %broadcast_in_dim3A_374] : memref<256x128xf32, #tpu.memory_space<vmem>>[vector<16xi32>, vector<16xi32>], vector<16xf32>,
      %gt3A_376 = arith.cmpf ogt, %gather3A_375, %select_n3A_372 : vector<16xf32>
      %jit3A_377 = arith.constant 11 : i32
      %broadcast_in_dim3A_378 = vector.broadcast %jit3A_377 : i32 to vector<16xi32>
      %select_n3A_379 = arith.select %gt3A_376, %broadcast_in_dim3A_378, %select_n3A_371 : vector<16xi1>, vector<16xi32>
      %select_n3A_380 = arith.select %gt3A_376, %gather3A_375, %select_n3A_372 : vector<16xi1>, vector<16xf32>
      %broadcast_in_dim3A_381 = arith.constant 60 : i32
      %broadcast_in_dim3A_382 = vector.broadcast %broadcast_in_dim3A_381 : i32 to vector<16xi32>
      %gather3A_383 = tpu.vector_load_idx %arg4[%add3A_12, %broadcast_in_dim3A_382] : memref<256x128xf32, #tpu.memory_space<vmem>>[vector<16xi32>, vector<16xi32>], vector<16xf32>,
      %gt3A_384 = arith.cmpf ogt, %gather3A_383, %select_n3A_380 : vector<16xf32>
      %jit3A_385 = arith.constant 12 : i32
      %broadcast_in_dim3A_386 = vector.broadcast %jit3A_385 : i32 to vector<16xi32>
      %select_n3A_387 = arith.select %gt3A_384, %broadcast_in_dim3A_386, %select_n3A_379 : vector<16xi1>, vector<16xi32>
      %select_n3A_388 = arith.select %gt3A_384, %gather3A_383, %select_n3A_380 : vector<16xi1>, vector<16xf32>
      %broadcast_in_dim3A_389 = arith.constant 61 : i32
      %broadcast_in_dim3A_390 = vector.broadcast %broadcast_in_dim3A_389 : i32 to vector<16xi32>
      %gather3A_391 = tpu.vector_load_idx %arg4[%add3A_12, %broadcast_in_dim3A_390] : memref<256x128xf32, #tpu.memory_space<vmem>>[vector<16xi32>, vector<16xi32>], vector<16xf32>,
      %gt3A_392 = arith.cmpf ogt, %gather3A_391, %select_n3A_388 : vector<16xf32>
      %jit3A_393 = arith.constant 13 : i32
      %broadcast_in_dim3A_394 = vector.broadcast %jit3A_393 : i32 to vector<16xi32>
      %select_n3A_395 = arith.select %gt3A_392, %broadcast_in_dim3A_394, %select_n3A_387 : vector<16xi1>, vector<16xi32>
      %select_n3A_396 = arith.select %gt3A_392, %gather3A_391, %select_n3A_388 : vector<16xi1>, vector<16xf32>
      %broadcast_in_dim3A_397 = arith.constant 62 : i32
      %broadcast_in_dim3A_398 = vector.broadcast %broadcast_in_dim3A_397 : i32 to vector<16xi32>
      %gather3A_399 = tpu.vector_load_idx %arg4[%add3A_12, %broadcast_in_dim3A_398] : memref<256x128xf32, #tpu.memory_space<vmem>>[vector<16xi32>, vector<16xi32>], vector<16xf32>,
      %gt3A_400 = arith.cmpf ogt, %gather3A_399, %select_n3A_396 : vector<16xf32>
      %jit3A_401 = arith.constant 14 : i32
      %broadcast_in_dim3A_402 = vector.broadcast %jit3A_401 : i32 to vector<16xi32>
      %select_n3A_403 = arith.select %gt3A_400, %broadcast_in_dim3A_402, %select_n3A_395 : vector<16xi1>, vector<16xi32>
      %select_n3A_404 = arith.select %gt3A_400, %gather3A_399, %select_n3A_396 : vector<16xi1>, vector<16xf32>
      %broadcast_in_dim3A_405 = arith.constant 63 : i32
      %broadcast_in_dim3A_406 = vector.broadcast %broadcast_in_dim3A_405 : i32 to vector<16xi32>
      %gather3A_407 = tpu.vector_load_idx %arg4[%add3A_12, %broadcast_in_dim3A_406] : memref<256x128xf32, #tpu.memory_space<vmem>>[vector<16xi32>, vector<16xi32>], vector<16xf32>,
      %gt3A_408 = arith.cmpf ogt, %gather3A_407, %select_n3A_404 : vector<16xf32>
      %jit3A_409 = arith.constant 15 : i32
      %broadcast_in_dim3A_410 = vector.broadcast %jit3A_409 : i32 to vector<16xi32>
      %select_n3A_411 = arith.select %gt3A_408, %broadcast_in_dim3A_410, %select_n3A_403 : vector<16xi1>, vector<16xi32>
      %select_n3A_412 = arith.select %gt3A_408, %gather3A_407, %select_n3A_404 : vector<16xi1>, vector<16xf32>
      %broadcast_in_dim3A_413 = arith.constant 64 : i32
      %broadcast_in_dim3A_414 = vector.broadcast %broadcast_in_dim3A_413 : i32 to vector<16xi32>
      %gather3A_415 = tpu.vector_load_idx %arg4[%add3A_12, %broadcast_in_dim3A_414] : memref<256x128xf32, #tpu.memory_space<vmem>>[vector<16xi32>, vector<16xi32>], vector<16xf32>,
      %broadcast_in_dim3A_416 = arith.constant 0 : i32
      %broadcast_in_dim3A_417 = vector.broadcast %broadcast_in_dim3A_416 : i32 to vector<16xi32>
      %broadcast_in_dim3A_418 = arith.constant 65 : i32
      %broadcast_in_dim3A_419 = vector.broadcast %broadcast_in_dim3A_418 : i32 to vector<16xi32>
      %gather3A_420 = tpu.vector_load_idx %arg4[%add3A_12, %broadcast_in_dim3A_419] : memref<256x128xf32, #tpu.memory_space<vmem>>[vector<16xi32>, vector<16xi32>], vector<16xf32>,
      %gt3A_421 = arith.cmpf ogt, %gather3A_420, %gather3A_415 : vector<16xf32>
      %jit3A_422 = arith.constant 1 : i32
      %broadcast_in_dim3A_423 = vector.broadcast %jit3A_422 : i32 to vector<16xi32>
      %select_n3A_424 = arith.select %gt3A_421, %broadcast_in_dim3A_423, %broadcast_in_dim3A_417 : vector<16xi1>, vector<16xi32>
      %select_n3A_425 = arith.select %gt3A_421, %gather3A_420, %gather3A_415 : vector<16xi1>, vector<16xf32>
      %broadcast_in_dim3A_426 = arith.constant 66 : i32
      %broadcast_in_dim3A_427 = vector.broadcast %broadcast_in_dim3A_426 : i32 to vector<16xi32>
      %gather3A_428 = tpu.vector_load_idx %arg4[%add3A_12, %broadcast_in_dim3A_427] : memref<256x128xf32, #tpu.memory_space<vmem>>[vector<16xi32>, vector<16xi32>], vector<16xf32>,
      %gt3A_429 = arith.cmpf ogt, %gather3A_428, %select_n3A_425 : vector<16xf32>
      %jit3A_430 = arith.constant 2 : i32
      %broadcast_in_dim3A_431 = vector.broadcast %jit3A_430 : i32 to vector<16xi32>
      %select_n3A_432 = arith.select %gt3A_429, %broadcast_in_dim3A_431, %select_n3A_424 : vector<16xi1>, vector<16xi32>
      %select_n3A_433 = arith.select %gt3A_429, %gather3A_428, %select_n3A_425 : vector<16xi1>, vector<16xf32>
      %broadcast_in_dim3A_434 = arith.constant 67 : i32
      %broadcast_in_dim3A_435 = vector.broadcast %broadcast_in_dim3A_434 : i32 to vector<16xi32>
      %gather3A_436 = tpu.vector_load_idx %arg4[%add3A_12, %broadcast_in_dim3A_435] : memref<256x128xf32, #tpu.memory_space<vmem>>[vector<16xi32>, vector<16xi32>], vector<16xf32>,
      %gt3A_437 = arith.cmpf ogt, %gather3A_436, %select_n3A_433 : vector<16xf32>
      %jit3A_438 = arith.constant 3 : i32
      %broadcast_in_dim3A_439 = vector.broadcast %jit3A_438 : i32 to vector<16xi32>
      %select_n3A_440 = arith.select %gt3A_437, %broadcast_in_dim3A_439, %select_n3A_432 : vector<16xi1>, vector<16xi32>
      %select_n3A_441 = arith.select %gt3A_437, %gather3A_436, %select_n3A_433 : vector<16xi1>, vector<16xf32>
      %broadcast_in_dim3A_442 = arith.constant 68 : i32
      %broadcast_in_dim3A_443 = vector.broadcast %broadcast_in_dim3A_442 : i32 to vector<16xi32>
      %gather3A_444 = tpu.vector_load_idx %arg4[%add3A_12, %broadcast_in_dim3A_443] : memref<256x128xf32, #tpu.memory_space<vmem>>[vector<16xi32>, vector<16xi32>], vector<16xf32>,
      %gt3A_445 = arith.cmpf ogt, %gather3A_444, %select_n3A_441 : vector<16xf32>
      %jit3A_446 = arith.constant 4 : i32
      %broadcast_in_dim3A_447 = vector.broadcast %jit3A_446 : i32 to vector<16xi32>
      %select_n3A_448 = arith.select %gt3A_445, %broadcast_in_dim3A_447, %select_n3A_440 : vector<16xi1>, vector<16xi32>
      %select_n3A_449 = arith.select %gt3A_445, %gather3A_444, %select_n3A_441 : vector<16xi1>, vector<16xf32>
      %broadcast_in_dim3A_450 = arith.constant 69 : i32
      %broadcast_in_dim3A_451 = vector.broadcast %broadcast_in_dim3A_450 : i32 to vector<16xi32>
      %gather3A_452 = tpu.vector_load_idx %arg4[%add3A_12, %broadcast_in_dim3A_451] : memref<256x128xf32, #tpu.memory_space<vmem>>[vector<16xi32>, vector<16xi32>], vector<16xf32>,
      %gt3A_453 = arith.cmpf ogt, %gather3A_452, %select_n3A_449 : vector<16xf32>
      %jit3A_454 = arith.constant 5 : i32
      %broadcast_in_dim3A_455 = vector.broadcast %jit3A_454 : i32 to vector<16xi32>
      %select_n3A_456 = arith.select %gt3A_453, %broadcast_in_dim3A_455, %select_n3A_448 : vector<16xi1>, vector<16xi32>
      %select_n3A_457 = arith.select %gt3A_453, %gather3A_452, %select_n3A_449 : vector<16xi1>, vector<16xf32>
      %broadcast_in_dim3A_458 = arith.constant 70 : i32
      %broadcast_in_dim3A_459 = vector.broadcast %broadcast_in_dim3A_458 : i32 to vector<16xi32>
      %gather3A_460 = tpu.vector_load_idx %arg4[%add3A_12, %broadcast_in_dim3A_459] : memref<256x128xf32, #tpu.memory_space<vmem>>[vector<16xi32>, vector<16xi32>], vector<16xf32>,
      %gt3A_461 = arith.cmpf ogt, %gather3A_460, %select_n3A_457 : vector<16xf32>
      %jit3A_462 = arith.constant 6 : i32
      %broadcast_in_dim3A_463 = vector.broadcast %jit3A_462 : i32 to vector<16xi32>
      %select_n3A_464 = arith.select %gt3A_461, %broadcast_in_dim3A_463, %select_n3A_456 : vector<16xi1>, vector<16xi32>
      %select_n3A_465 = arith.select %gt3A_461, %gather3A_460, %select_n3A_457 : vector<16xi1>, vector<16xf32>
      %broadcast_in_dim3A_466 = arith.constant 71 : i32
      %broadcast_in_dim3A_467 = vector.broadcast %broadcast_in_dim3A_466 : i32 to vector<16xi32>
      %gather3A_468 = tpu.vector_load_idx %arg4[%add3A_12, %broadcast_in_dim3A_467] : memref<256x128xf32, #tpu.memory_space<vmem>>[vector<16xi32>, vector<16xi32>], vector<16xf32>,
      %gt3A_469 = arith.cmpf ogt, %gather3A_468, %select_n3A_465 : vector<16xf32>
      %jit3A_470 = arith.constant 7 : i32
      %broadcast_in_dim3A_471 = vector.broadcast %jit3A_470 : i32 to vector<16xi32>
      %select_n3A_472 = arith.select %gt3A_469, %broadcast_in_dim3A_471, %select_n3A_464 : vector<16xi1>, vector<16xi32>
      %select_n3A_473 = arith.select %gt3A_469, %gather3A_468, %select_n3A_465 : vector<16xi1>, vector<16xf32>
      %broadcast_in_dim3A_474 = arith.constant 72 : i32
      %broadcast_in_dim3A_475 = vector.broadcast %broadcast_in_dim3A_474 : i32 to vector<16xi32>
      %gather3A_476 = tpu.vector_load_idx %arg4[%add3A_12, %broadcast_in_dim3A_475] : memref<256x128xf32, #tpu.memory_space<vmem>>[vector<16xi32>, vector<16xi32>], vector<16xf32>,
      %gt3A_477 = arith.cmpf ogt, %gather3A_476, %select_n3A_473 : vector<16xf32>
      %jit3A_478 = arith.constant 8 : i32
      %broadcast_in_dim3A_479 = vector.broadcast %jit3A_478 : i32 to vector<16xi32>
      %select_n3A_480 = arith.select %gt3A_477, %broadcast_in_dim3A_479, %select_n3A_472 : vector<16xi1>, vector<16xi32>
      %select_n3A_481 = arith.select %gt3A_477, %gather3A_476, %select_n3A_473 : vector<16xi1>, vector<16xf32>
      %broadcast_in_dim3A_482 = arith.constant 73 : i32
      %broadcast_in_dim3A_483 = vector.broadcast %broadcast_in_dim3A_482 : i32 to vector<16xi32>
      %gather3A_484 = tpu.vector_load_idx %arg4[%add3A_12, %broadcast_in_dim3A_483] : memref<256x128xf32, #tpu.memory_space<vmem>>[vector<16xi32>, vector<16xi32>], vector<16xf32>,
      %gt3A_485 = arith.cmpf ogt, %gather3A_484, %select_n3A_481 : vector<16xf32>
      %jit3A_486 = arith.constant 9 : i32
      %broadcast_in_dim3A_487 = vector.broadcast %jit3A_486 : i32 to vector<16xi32>
      %select_n3A_488 = arith.select %gt3A_485, %broadcast_in_dim3A_487, %select_n3A_480 : vector<16xi1>, vector<16xi32>
      %select_n3A_489 = arith.select %gt3A_485, %gather3A_484, %select_n3A_481 : vector<16xi1>, vector<16xf32>
      %broadcast_in_dim3A_490 = arith.constant 74 : i32
      %broadcast_in_dim3A_491 = vector.broadcast %broadcast_in_dim3A_490 : i32 to vector<16xi32>
      %gather3A_492 = tpu.vector_load_idx %arg4[%add3A_12, %broadcast_in_dim3A_491] : memref<256x128xf32, #tpu.memory_space<vmem>>[vector<16xi32>, vector<16xi32>], vector<16xf32>,
      %gt3A_493 = arith.cmpf ogt, %gather3A_492, %select_n3A_489 : vector<16xf32>
      %jit3A_494 = arith.constant 10 : i32
      %broadcast_in_dim3A_495 = vector.broadcast %jit3A_494 : i32 to vector<16xi32>
      %select_n3A_496 = arith.select %gt3A_493, %broadcast_in_dim3A_495, %select_n3A_488 : vector<16xi1>, vector<16xi32>
      %select_n3A_497 = arith.select %gt3A_493, %gather3A_492, %select_n3A_489 : vector<16xi1>, vector<16xf32>
      %broadcast_in_dim3A_498 = arith.constant 75 : i32
      %broadcast_in_dim3A_499 = vector.broadcast %broadcast_in_dim3A_498 : i32 to vector<16xi32>
      %gather3A_500 = tpu.vector_load_idx %arg4[%add3A_12, %broadcast_in_dim3A_499] : memref<256x128xf32, #tpu.memory_space<vmem>>[vector<16xi32>, vector<16xi32>], vector<16xf32>,
      %gt3A_501 = arith.cmpf ogt, %gather3A_500, %select_n3A_497 : vector<16xf32>
      %jit3A_502 = arith.constant 11 : i32
      %broadcast_in_dim3A_503 = vector.broadcast %jit3A_502 : i32 to vector<16xi32>
      %select_n3A_504 = arith.select %gt3A_501, %broadcast_in_dim3A_503, %select_n3A_496 : vector<16xi1>, vector<16xi32>
      %select_n3A_505 = arith.select %gt3A_501, %gather3A_500, %select_n3A_497 : vector<16xi1>, vector<16xf32>
      %broadcast_in_dim3A_506 = arith.constant 76 : i32
      %broadcast_in_dim3A_507 = vector.broadcast %broadcast_in_dim3A_506 : i32 to vector<16xi32>
      %gather3A_508 = tpu.vector_load_idx %arg4[%add3A_12, %broadcast_in_dim3A_507] : memref<256x128xf32, #tpu.memory_space<vmem>>[vector<16xi32>, vector<16xi32>], vector<16xf32>,
      %gt3A_509 = arith.cmpf ogt, %gather3A_508, %select_n3A_505 : vector<16xf32>
      %jit3A_510 = arith.constant 12 : i32
      %broadcast_in_dim3A_511 = vector.broadcast %jit3A_510 : i32 to vector<16xi32>
      %select_n3A_512 = arith.select %gt3A_509, %broadcast_in_dim3A_511, %select_n3A_504 : vector<16xi1>, vector<16xi32>
      %select_n3A_513 = arith.select %gt3A_509, %gather3A_508, %select_n3A_505 : vector<16xi1>, vector<16xf32>
      %broadcast_in_dim3A_514 = arith.constant 77 : i32
      %broadcast_in_dim3A_515 = vector.broadcast %broadcast_in_dim3A_514 : i32 to vector<16xi32>
      %gather3A_516 = tpu.vector_load_idx %arg4[%add3A_12, %broadcast_in_dim3A_515] : memref<256x128xf32, #tpu.memory_space<vmem>>[vector<16xi32>, vector<16xi32>], vector<16xf32>,
      %gt3A_517 = arith.cmpf ogt, %gather3A_516, %select_n3A_513 : vector<16xf32>
      %jit3A_518 = arith.constant 13 : i32
      %broadcast_in_dim3A_519 = vector.broadcast %jit3A_518 : i32 to vector<16xi32>
      %select_n3A_520 = arith.select %gt3A_517, %broadcast_in_dim3A_519, %select_n3A_512 : vector<16xi1>, vector<16xi32>
      %select_n3A_521 = arith.select %gt3A_517, %gather3A_516, %select_n3A_513 : vector<16xi1>, vector<16xf32>
      %broadcast_in_dim3A_522 = arith.constant 78 : i32
      %broadcast_in_dim3A_523 = vector.broadcast %broadcast_in_dim3A_522 : i32 to vector<16xi32>
      %gather3A_524 = tpu.vector_load_idx %arg4[%add3A_12, %broadcast_in_dim3A_523] : memref<256x128xf32, #tpu.memory_space<vmem>>[vector<16xi32>, vector<16xi32>], vector<16xf32>,
      %gt3A_525 = arith.cmpf ogt, %gather3A_524, %select_n3A_521 : vector<16xf32>
      %jit3A_526 = arith.constant 14 : i32
      %broadcast_in_dim3A_527 = vector.broadcast %jit3A_526 : i32 to vector<16xi32>
      %select_n3A_528 = arith.select %gt3A_525, %broadcast_in_dim3A_527, %select_n3A_520 : vector<16xi1>, vector<16xi32>
      %select_n3A_529 = arith.select %gt3A_525, %gather3A_524, %select_n3A_521 : vector<16xi1>, vector<16xf32>
      %broadcast_in_dim3A_530 = arith.constant 79 : i32
      %broadcast_in_dim3A_531 = vector.broadcast %broadcast_in_dim3A_530 : i32 to vector<16xi32>
      %gather3A_532 = tpu.vector_load_idx %arg4[%add3A_12, %broadcast_in_dim3A_531] : memref<256x128xf32, #tpu.memory_space<vmem>>[vector<16xi32>, vector<16xi32>], vector<16xf32>,
      %gt3A_533 = arith.cmpf ogt, %gather3A_532, %select_n3A_529 : vector<16xf32>
      %jit3A_534 = arith.constant 15 : i32
      %broadcast_in_dim3A_535 = vector.broadcast %jit3A_534 : i32 to vector<16xi32>
      %select_n3A_536 = arith.select %gt3A_533, %broadcast_in_dim3A_535, %select_n3A_528 : vector<16xi1>, vector<16xi32>
      %select_n3A_537 = arith.select %gt3A_533, %gather3A_532, %select_n3A_529 : vector<16xi1>, vector<16xf32>
      %mul3A_538 = arith.constant 16 : i32
      %mul3A_539 = vector.broadcast %mul3A_538 : i32 to vector<16xi32>
      %mul3A_540 = arith.muli %mul3A_539, %select_n3A_536 : vector<16xi32>
      %add3A_541 = arith.addi %select_n3A_411, %mul3A_540 : vector<16xi32>
      %and3A_542 = arith.andi %add3A_287, %add3A_541 : vector<16xi32>
      %jit3A_543 = arith.constant 0 : i32
      %broadcast_in_dim3A_544 = vector.broadcast %jit3A_543 : i32 to vector<16xi32>
      %select_n3A_545 = arith.select %and3A, %and3A_542, %broadcast_in_dim3A_544 : vector<16xi1>, vector<16xi32>
      %or3A = arith.ori %add3A_287, %add3A_541 : vector<16xi32>
      %select_n3A_546 = arith.select %and3A_28, %or3A, %select_n3A_545 : vector<16xi1>, vector<16xi32>
      %xor3A = arith.xori %add3A_287, %add3A_541 : vector<16xi32>
      %select_n3A_547 = arith.select %and3A_35, %xor3A, %select_n3A_546 : vector<16xi1>, vector<16xi32>
      %or3A_548 = arith.ori %and3A, %and3A_28 : vector<16xi1>
      %or3A_549 = arith.ori %or3A_548, %and3A_35 : vector<16xi1>
      %jit3A_550 = arith.constant 1.000000e+00 : f32
      %jit3A_551 = arith.constant 0.000000e+00 : f32
      %broadcast_in_dim3A_552 = vector.broadcast %jit3A_550 : f32 to vector<16xf32>
      %broadcast_in_dim3A_553 = vector.broadcast %jit3A_551 : f32 to vector<16xf32>
      %select_n3A_554 = arith.select %or3A_549, %broadcast_in_dim3A_552, %broadcast_in_dim3A_553 : vector<16xi1>, vector<16xf32>
      %and3A_555 = arith.constant 15 : i32
      %and3A_556 = vector.broadcast %and3A_555 : i32 to vector<16xi32>
      %and3A_557 = arith.andi %select_n3A_547, %and3A_556 : vector<16xi32>
      %add3A_558 = arith.constant 80 : i32
      %add3A_559 = vector.broadcast %add3A_558 : i32 to vector<16xi32>
      %add3A_560 = arith.addi %add3A_559, %and3A_557 : vector<16xi32>
      %shift_right_arithmetic3A = arith.constant 4 : i32
      %shift_right_arithmetic3A_561 = vector.broadcast %shift_right_arithmetic3A : i32 to vector<16xi32>
      %shift_right_arithmetic3A_562 = arith.shrsi %select_n3A_547, %shift_right_arithmetic3A_561 : vector<16xi32>
      %add3A_563 = arith.constant 96 : i32
      %add3A_564 = vector.broadcast %add3A_563 : i32 to vector<16xi32>
      %add3A_565 = arith.addi %add3A_564, %shift_right_arithmetic3A_562 : vector<16xi32>
      tpu.vector_store_idx %arg4[%add3A_12, %add3A_560], %select_n3A_554 {add = true} : memref<256x128xf32, #tpu.memory_space<vmem>>[vector<16xi32>, vector<16xi32>], vector<16xf32>,
      tpu.vector_store_idx %arg4[%add3A_12, %add3A_565], %select_n3A_554 {add = true} : memref<256x128xf32, #tpu.memory_space<vmem>>[vector<16xi32>, vector<16xi32>], vector<16xf32>,
    }
    %scan3A_7 = arith.constant 16 : i32
    "tpu.region"() ({
      %run_scoped3A = tpu.sem_alloc : memref<!tpu.dma_semaphore, #tpu.memory_space<semaphore_mem>>
      %dma_start3A = arith.constant 0 : i32
      %dma_start3A_8 = tpu.memref_slice %arg3[%mul3A_2, %dma_start3A] : memref<8192x128xf32, #tpu.memory_space<hbm>> -> memref<256x128xf32, #tpu.memory_space<hbm>>
      %dma_start3A_9 = arith.constant 0 : i32
      %dma_start3A_10 = tpu.memref_slice %arg3[%mul3A_2, %dma_start3A_9] : memref<8192x128xf32, #tpu.memory_space<hbm>> -> memref<256x128xf32, #tpu.memory_space<hbm>>
      tpu.enqueue_dma source(%arg4 : memref<256x128xf32, #tpu.memory_space<vmem>>) target(%dma_start3A_10 : memref<256x128xf32, #tpu.memory_space<hbm>>) target_semaphore(%run_scoped3A : memref<!tpu.dma_semaphore, #tpu.memory_space<semaphore_mem>>)
      %dma_wait3A = arith.constant 0 : i32
      %dma_wait3A_11 = tpu.memref_slice %arg3[%mul3A_2, %dma_wait3A] : memref<8192x128xf32, #tpu.memory_space<hbm>> -> memref<256x128xf32, #tpu.memory_space<hbm>>
      %dma_wait3A_12 = arith.constant 0 : i32
      %dma_wait3A_13 = tpu.memref_slice %arg3[%mul3A_2, %dma_wait3A_12] : memref<8192x128xf32, #tpu.memory_space<hbm>> -> memref<256x128xf32, #tpu.memory_space<hbm>>
      tpu.wait_dma2 semaphore(%run_scoped3A : memref<!tpu.dma_semaphore, #tpu.memory_space<semaphore_mem>>) src(%arg4 : memref<256x128xf32, #tpu.memory_space<vmem>>) dst(%dma_wait3A_13 : memref<256x128xf32, #tpu.memory_space<hbm>>)
      tpu.yield
    }) : () -> ()
    return
  }
}

module attributes {stable_mosaic.version = 14 : i64} {
  func.func @_tc_merge_body(%arg0: i32, %arg1: memref<8192x1024xf32, #tpu.memory_space<any>>, %arg2: memref<4096x128xf32, #tpu.memory_space<vmem>>, %arg3: memref<4096x128xf32, #tpu.memory_space<vmem>>) attributes {dimension_semantics = [#tpu.dimension_semantics<arbitrary>], iteration_bounds = array<i64: 2>, scalar_prefetch = 0 : i64, scratch_operands = 0 : i64, tpu.core_type = #tpu.core_type<tc>, window_params = [{}, {transform_indices = @transform_1, window_bounds = array<i64: 4096, 128>}, {transform_indices = @transform_2, window_bounds = array<i64: 4096, 128>}]} {
    %get3A = arith.constant 0 : index
    %get3A_0 = arith.constant 0 : index
    %get3A_1 = vector.load %arg2[%get3A, %get3A_0] : memref<4096x128xf32, #tpu.memory_space<vmem>>, vector<4096x128xf32>
    %swap3A = arith.constant 0 : index
    %swap3A_2 = arith.constant 0 : index
    %swap3A_3 = vector.load %arg3[%swap3A, %swap3A_2] : memref<4096x128xf32, #tpu.memory_space<vmem>>, vector<4096x128xf32>
    tpu.vector_store %arg3[%swap3A, %swap3A_2], %get3A_1 {strides = array<i32>} : memref<4096x128xf32, #tpu.memory_space<vmem>>, vector<4096x128xf32>,
    return
  }
  func.func @transform_1(%arg0: i32) -> (i32, i32) {
    %c0_i32 = arith.constant 0 : i32
    %c0_i32_0 = arith.constant 0 : i32
    return %arg0, %c0_i32 : i32, i32
  }
  func.func @transform_2(%arg0: i32) -> (i32, i32) {
    %c0_i32 = arith.constant 0 : i32
    %c0_i32_0 = arith.constant 0 : i32
    return %arg0, %c0_i32 : i32, i32
  }
}

module attributes {stable_mosaic.version = 14 : i64} {
  func.func @_tc_copy_body(%arg0: i32, %arg1: memref<2048x1024xf32, #tpu.memory_space<vmem>>, %arg2: memref<2048x1024xf32, #tpu.memory_space<vmem>>) attributes {dimension_semantics = [#tpu.dimension_semantics<arbitrary>], iteration_bounds = array<i64: 4>, scalar_prefetch = 0 : i64, scratch_operands = 0 : i64, tpu.core_type = #tpu.core_type<tc>, window_params = [{transform_indices = @transform_0, window_bounds = array<i64: 2048, 1024>}, {transform_indices = @transform_1, window_bounds = array<i64: 2048, 1024>}]} {
    %get3A = arith.constant 0 : index
    %get3A_0 = arith.constant 0 : index
    %get3A_1 = vector.load %arg1[%get3A, %get3A_0] : memref<2048x1024xf32, #tpu.memory_space<vmem>>, vector<2048x1024xf32>
    %swap3A = arith.constant 0 : index
    %swap3A_2 = arith.constant 0 : index
    %swap3A_3 = vector.load %arg2[%swap3A, %swap3A_2] : memref<2048x1024xf32, #tpu.memory_space<vmem>>, vector<2048x1024xf32>
    tpu.vector_store %arg2[%swap3A, %swap3A_2], %get3A_1 {strides = array<i32>} : memref<2048x1024xf32, #tpu.memory_space<vmem>>, vector<2048x1024xf32>,
    return
  }
  func.func @transform_0(%arg0: i32) -> (i32, i32) {
    %c0_i32 = arith.constant 0 : i32
    %c0_i32_0 = arith.constant 0 : i32
    return %arg0, %c0_i32 : i32, i32
  }
  func.func @transform_1(%arg0: i32) -> (i32, i32) {
    %c0_i32 = arith.constant 0 : i32
    %c0_i32_0 = arith.constant 0 : i32
    return %arg0, %c0_i32 : i32, i32
  }
}

</mosaic_0001>

<sc_bundles>
// kernel: kernel.5.cloned.1.call-start
scs
__scs_entry_jumppad:
0x0: {  	(pc) =	sbr.rel $0x88, $3  }
0x1: {  	(tag) =	ssettag $0x0;
	lr =	simm.s32 $0x1  }
0x2: {  	[smem:$0x3FA0] =	sst lr;
	_ =	strace $0xD0000000  }
0x3: {  	_ = 	snop  }
0x4: {  	_ = 	snop  }
0x5: {  	_ = 	snop  }
0x6: {  	_ = 	snop  }
0x7: {  	_ = 	snop  }
__scs_overlays_trampoline_lowered:
0x8: {  	[smem:$0x3FAF] =	sst s0  }
0x9: {  	[smem:$0x3FB0] =	sst s1  }
0xa: {  	[smem:$0x3FB1] =	sst s2  }
0xb: {  	[smem:$0x3FB2] =	sst s3  }
0xc: {  	[smem:$0x3FB3] =	sst s4  }
0xd: {  	[smem:$0x3FB4] =	sst s5  }
0xe: {  	[smem:$0x3FB5] =	sst s6  }
0xf: {  	[smem:$0x3FB6] =	sst s7  }
0x10: {  	[smem:$0x3FB7] =	sst s8  }
0x11: {  	[smem:$0x3FB8] =	sst s9;
	s0 =	simm.s32 @!p0 $0x0  }
0x12: {  	s1 =	sld [smem:$0x3F9E];
	s0 =	simm.s32 @p0 $0x1  }
0x13: {  	[smem:$0x3FB9] =	sst s0;
	s0 =	simm.s32 @!p1 $0x0  }
0x14: {  	s2 =	sld [smem:$0x3F9D];
	s0 =	simm.s32 @p1 $0x1  }
0x15: {  	[smem:$0x3FBA] =	sst s0;
	s0 =	simm.s32 @!p2 $0x0  }
0x16: {  	s3 =	sld [smem:$0x3FDB];
	s0 =	simm.s32 @p2 $0x1  }
0x17: {  	s4 =	simm.s32 $0x1BF5;
	[smem:$0x3FBC] =	sst s0  }
0x18: {  	s0 =	sld [smem:$0x3F9F];
	_ =	swait.ge [sflag:s4], $0x0  }
0x19: {  	s7 =	sld [smem:$0x3FA0]  }
0x1a: {  	s8 =	sadd.s32 $0xFFFFE003, lr  }
0x1b: {  	s9 =	sadd.s32 $0xFFFFFEF7, lr;
	s5 =	simm.s32 $0xFFFFFFFF;
	p2 =	slt.u32 s8, $0xFFFFF086  }
0x1c: {  	p1 =	slt.u32 s9, $0xF7A;
	s5 =	simm.s32 @!p2 $0x0  }
0x1d: {  	s5 =	simm.s32 @p1 $0x1;
	p0 =	seq.s32 s7, s2  }
0x1e: {  	s7 =	smul.u32 @!p0 $0xF7A, s2;
	p2 =	seq.s32 @!p0 s5, $0x0  }
0x1f: {  	s9 =	smul.u32 $0xF7A, s1;
	s8 =	simm.s32 @!p0 $0x1BF5;
	p2 =	por !p2, p0  }
0x20: {  	[sflag:s8] =	ssyncset.s32 @!p0 $0xFFFFF086;
	s6 =	sadd.s32 @!p0 s3, s7;
	s7 =	simm.s32 @!p0 $0x108  }
0x21: {  	s3 =	sadd.s32 s3, s9;
	s6 =	sadd.s32 @!p0 $0x88, s6;
	s7 =	simm.s32 @p2 $0x1082  }
0x22: {  	[simem:s7], [sflag:s8] =	dma.local @!p0 [hbm:s6], $0xF7A  }
0x23: {  	s9 =	sor.u32 $0xD0000000, s2;
	s6 =	simm.s32 $0x108;
	_ =	swait.ge @!p0 [sflag:s8], $0x0  }
0x24: {  	s3 =	sadd.s32 $0x88, s3;
	s6 =	simm.s32 @!p1 $0x1082;
	[sflag:s4] =	ssyncset.s32 $0xFFFFF086  }
0x25: {  	[simem:s6], [sflag:s4] =	dma.local [hbm:s3], $0xF7A  }
0x26: {  	[smem:$0x3FA0] =	sst s1;
	(tag) =	ssettag s2;
	_ =	strace s9  }
0x27: {  	s1 =	sld [smem:$0x3FB0]  }
0x28: {  	s2 =	sld [smem:$0x3FB1]  }
0x29: {  	s4 =	sld [smem:$0x3FB3]  }
0x2a: {  	p0 =	seq.s32 s5, $0x0;
	s5 =	sld [smem:$0x3FB4]  }
0x2b: {  	s6 =	sld [smem:$0x3FB5]  }
0x2c: {  	s7 =	sld [smem:$0x3FB6]  }
0x2d: {  	s3 =	simm.s32 $0x108;
	s8 =	sld [smem:$0x3FB7]  }
0x2e: {  	s3 =	simm.s32 @!p0 $0x1082;
	s9 =	sld [smem:$0x3FB8]  }
0x2f: {  	lr =	sadd.s32 s0, s3;
	s0 =	sld [smem:$0x3FAF]  }
0x30: {  	s3 =	sld [smem:$0x3FB2]  }
0x31: {  	[smem:$0x3FBB] =	sst s10  }
0x32: {  	s10 =	sld [smem:$0x3FB9];
	_ =	sdelay $0x3  }
0x33: {  	p0 =	seq.s32 s10, $0x1;
	s10 =	sld [smem:$0x3FBB];
	_ =	sdelay $0x3  }
0x34: {  	[smem:$0x3FBB] =	sst s10  }
0x35: {  	s10 =	sld [smem:$0x3FBA];
	_ =	sdelay $0x3  }
0x36: {  	p1 =	seq.s32 s10, $0x1;
	s10 =	sld [smem:$0x3FBB];
	_ =	sdelay $0x3  }
0x37: {  	[smem:$0x3FBB] =	sst s10  }
0x38: {  	s10 =	sld [smem:$0x3FBC]  }
0x39: {  	_ = 	snop;
	(pc) =	sbr.ind lr, $3  }
0x3a: {  	_ = 	snop  }
0x3b: {  	_ = 	snop  }
0x3c: {  	p2 =	seq.s32 s10, $0x1;
	s10 =	sld [smem:$0x3FBB]  }
0x3d: {  	_ =	shalt  }
0x3e: {  	_ =	shalt  }
0x3f: {  	_ =	shalt  }
0x40: {  	_ =	shalt  }
0x41: {  	_ =	shalt  }
0x42: {  	_ =	shalt  }
0x43: {  	_ =	shalt  }
0x44: {  	_ =	shalt  }
0x45: {  	_ =	shalt  }
0x46: {  	_ =	shalt  }
0x47: {  	_ =	shalt  }
0x48: {  	_ =	shalt  }
0x49: {  	_ =	shalt  }
0x4a: {  	_ =	shalt  }
0x4b: {  	_ =	shalt  }
0x4c: {  	_ =	shalt  }
0x4d: {  	_ =	shalt  }
0x4e: {  	_ =	shalt  }
0x4f: {  	_ =	shalt  }
0x50: {  	_ =	shalt  }
0x51: {  	_ =	shalt  }
0x52: {  	_ =	shalt  }
0x53: {  	_ =	shalt  }
0x54: {  	_ =	shalt  }
0x55: {  	_ =	shalt  }
0x56: {  	_ =	shalt  }
0x57: {  	_ =	shalt  }
0x58: {  	_ =	shalt  }
0x59: {  	_ =	shalt  }
0x5a: {  	_ =	shalt  }
0x5b: {  	_ =	shalt  }
0x5c: {  	_ =	shalt  }
0x5d: {  	_ =	shalt  }
0x5e: {  	_ =	shalt  }
0x5f: {  	_ =	shalt  }
0x60: {  	_ =	shalt  }
0x61: {  	_ =	shalt  }
0x62: {  	_ =	shalt  }
0x63: {  	_ =	shalt  }
0x64: {  	_ =	shalt  }
0x65: {  	_ =	shalt  }
0x66: {  	_ =	shalt  }
0x67: {  	_ =	shalt  }
0x68: {  	_ =	shalt  }
0x69: {  	_ =	shalt  }
0x6a: {  	_ =	shalt  }
0x6b: {  	_ =	shalt  }
0x6c: {  	_ =	shalt  }
0x6d: {  	_ =	shalt  }
0x6e: {  	_ =	shalt  }
0x6f: {  	_ =	shalt  }
0x70: {  	_ =	shalt  }
0x71: {  	_ =	shalt  }
0x72: {  	_ =	shalt  }
0x73: {  	_ =	shalt  }
0x74: {  	_ =	shalt  }
0x75: {  	_ =	shalt  }
0x76: {  	_ =	shalt  }
0x77: {  	_ =	shalt  }
0x78: {  	_ =	shalt  }
0x79: {  	_ =	shalt  }
0x7a: {  	_ =	shalt  }
0x7b: {  	_ =	shalt  }
0x7c: {  	_ =	shalt  }
0x7d: {  	_ =	shalt  }
0x7e: {  	_ =	shalt  }
0x7f: {  	_ =	shalt  }
0x80: {  	_ =	shalt  }
0x81: {  	_ =	shalt  }
0x82: {  	_ =	shalt  }
0x83: {  	_ =	shalt  }
0x84: {  	_ =	shalt  }
0x85: {  	_ =	shalt  }
0x86: {  	_ =	shalt  }
0x87: {  	_ =	shalt  }
.Lfunc_end0:
.L_simem_size_0:
called_computation_lowered:
.L_overlay_start_0:
0x88: {  	s2 =	sld [smem:$0x3FD9]  }
0x89: {  	s3 =	sld [smem:$0x3FFE];
	_ =	sdelay $0x1  }
0x8a: {  	s1 =	srdreg.scid  }
0x8b: {  	s0 =	sand.u32 $0x1, s1  }
0x8c: {  	s17 =	sshll.u32 s0, $0xA;
	s2 =	sadd.s32 s3, s2  }
0x8d: {  	s2 =	sadd.s32 s2, s17  }
0x8e: {  	[smem:$0x3FC7] =	sst s2  }
0x8f: {  	_ = 	snop  }
0x90: {  	s2 =	sld [smem:$0x3FC9];
	(tm) =	ssettm $0x1  }
0x91: {  	s18 =	sld [smem:$0x3FFB];
	_ =	sdelay $0x3  }
0x92: {  	_ =	strace s18  }
0x93: {  	s3 =	sld [smem:$0x3FFC];
	_ =	sdelay $0x3  }
0x94: {  	_ =	strace s3  }
0x95: {  	s3 =	sld [smem:$0x3FFD];
	_ =	sdelay $0x3  }
0x96: {  	_ =	strace s3  }
0x97: {  	_ =	strace $0x8FFFFFFF  }
0x98: {  	s19 =	sld [smem:$0x3FDB];
	_ =	sdelay $0x1  }
0x99: {  	s4 =	simm.s32 $_scs_section_size  }
0x9a: {  	s5 =	simm.s32 $_size__tile_overlayer_lowered;
	s6 =	simm.s32 $_tile_overlayer_lowered  }
0x9b: {  	s22 =	simm.s32 $0x1BFF;
	s21 =	sshll.u32 s6, $0x1;
	s3 =	sadd.s32 s4, s19  }
0x9c: {  	s7 =	simm.s32 $0x0;
	s20 =	sshll.u32 s5, $0x1;
	s5 =	sadd.s32 s21, s3  }
0x9d: {  	[timem:s7], [sflag:s22] =	dma.local [hbm:s5], s20  }
0x9e: {  	_ =	swait.ge [sflag:s22], s20  }
0x9f: {  	s4 =	ssub.s32 $0x0, s20;
	[sflag:s22] =	ssyncset.done $0x0  }
0xa0: {  	[sflag:s22] =	ssyncadd.s32 s4;
	_ =	sdelay $0x1  }
0xa1: {  	s23 =	simm.s32 $0x1B8B  }
0xa2: {  	_ =	swait.ge [sflag:s23], $0x1  }
0xa3: {  	[sflag:s23] =	ssyncset.done $0x0  }
0xa4: {  	s25 =	simm.s32 $0x1B8E;
	s24 =	sld [smem:$0x3FFE];
	[sflag:s23] =	ssyncadd.s32 $0xFFFFFFFF  }
0xa5: {  	s26 =	simm.s32 $execute0_lowered;
	[smem:$0x3FD2] =	sst s25  }
0xa6: {  	s5 =	sshll.u32 s26, $0x1;
	_ =	strace $0x80000046;
	[dreg:$0x1] =	wrdreg $0xFFFFFFFF  }
0xa7: {  	s28 =	simm.s32 $_size_execute0_lowered;
	s3 =	sadd.s32 s3, s5;
	[dreg:$0x0] =	wrdreg $0x0  }
0xa8: {  	s5 =	sshll.u32 s28, $0x1;
	[dreg:$0x2] =	wrdreg s3  }
0xa9: {  	[dreg:$0x3] =	wrdreg s5  }
0xaa: {  	[dreg:$0x4] =	wrdreg $0xC0  }
0xab: {  	_ =	task [dreg:s7], $0x5FFFF  }
0xac: {  	[dreg:$0x1] =	wrdreg $0xFFFFFFFF  }
0xad: {  	[dreg:$0x0] =	wrdreg $0x60  }
0xae: {  	[dreg:$0x2] =	wrdreg s2  }
0xaf: {  	[dreg:$0x3] =	wrdreg s24  }
0xb0: {  	[dreg:$0x4] =	wrdreg $0x9  }
0xb1: {  	_ =	task.clear_ibuf [dreg:s7], $0x5FFFF;
	_ =	strace $0x90000046  }
0xb2: {  	s29 =	simm.s32 $0x9;
	_ =	strace $0x80000048  }
0xb3: {  	_ =	swait.ge [sflag:s29], $0x1  }
0xb4: {  	[sflag:s29] =	ssyncadd.s32 $0xFFFFFFFF  }
0xb5: {  	_ =	strace $0x90000048  }
0xb6: {  	_ =	sfence  }
0xb7: {  	s30 =	sld [smem:$0x0];
	_ =	sdelay $0x2  }
0xb8: {  	s31 =	sshll.u32 s1, $0xD;
	s1 =	sshrl.u32 s1, $0x2  }
0xb9: {  	s3 =	sand.u32 $0x4000, s31;
	s1 =	sadd.s32 s1, s30  }
0xba: {  	s0 =	sor.u32 s3, s0;
	s1 =	sshll.u32 s1, $0x11  }
0xbb: {  	s0 =	sor.u32 s1, s0  }
0xbc: {  	s0 =	sadd.s32 $0x8F2B, s0  }
0xbd: {  	[sflag:s0] =	ssyncadd.remote.s32 $0x1  }
0xbe: {  	_ =	sfence.sel $0xFFFF  }
0xbf: {  	[dreg:$0x0] =	wrdreg $0xFFFFFFFF;
	(pc) =	sbr.abs _section_cstart, $3  }
0xc0: {  	[dreg:$0x1] =	wrdreg $0xFFFFFFFF  }
0xc1: {  	_ =	task.clear_ibuf [dreg:s7], $0x2FFFF;
	_ =	strace $0x9FFFFFFF  }
0xc2: {  	(tm) =	ssettm $0x7FFFFFFF  }
0xc3: {  	_ =	shalt  }
tec
execute0_lowered:
.L_overlay_start_1:
0x0: {  	(tag) =	ssettag $0x1  }
0x1: {  	s3 =	rddreg [dreg:$0x0]  }
0x2: {  	s4 =	rddreg [dreg:$0x1]  }
0x3: {  	s0 =	rddreg [dreg:$0x2];
	s5 =	srdreg.scid  }
0x4: {  	s2 =	simm.s32 $0x0;
	s1 =	stileid.u32;
	s5 =	sand.u32 $0x1, s5  }
0x5: {  	s9 =	simm.s32 $0x0;
	s6 =	sshll.u32 s1, $0x9;
	s7 =	sshll.u32 s5, $0x8  }
0x6: {  	[smem:$0x7FF] =	sst s2;
	s5 =	ssub.s32 $0x2, s5;
	s6 =	sor.u32 s7, s6  }
0x7: {  	_ =	strace $0x80000047;
	s8 =	sshrl.u32 s5, $0x1;
	s7 =	sshll.u32 s6, $0x4  }
0x8: {  	s6 =	sshll.u32 s6, $0x7;
	s5 =	ssub.s32 s5, s8;
	s8 =	simm.s32 $0x1  }
0x9: {  	v0 =	vlaneseq.u32;
	s4 =	sadd.s32 s7, s4;
	s3 =	sadd.s32 s3, s6;
	s5 =	smax.u32 s5, $0x1  }
0xa: {  	v1 =	vimm.s32 $0x0;
	v2 =	vimm.f32 $0.0e+00;
	v0 =	vmul.u32 $0x80, v0;
	s6 =	simm.s32 $0x400;
	s7 =	simm.s32 $0x2000;
	s4 =	sadd.s32 $0x600, s4  }
.LBB2_1:
0xb: {  	[tilespmem:s2], [sflag:$0x1] =	stream.strided.gather [hbm4b:s3+s6], $0x8000, s7, s6, $0x38;
	[tilespmem:$0x8000] =	vst v63  }
0xc: {  	_ =	swait.ge [sflag:s8], $0x8000  }
0xd: {  	[sflag:s8] =	ssyncset.done $0x0  }
0xe: {  	s10 =	simm.s32 $0x0;
	[sflag:s8] =	ssyncadd.s32 $0xFFFF8000  }
.LBB2_2:
0xf: {  	v3 =	vmov s10  }
0x10: {  	v3 =	vshll.u32 v3, $0x7  }
0x11: {  	v3 =	vor.u32 v0, v3  }
0x12: {  	v4 =	vor.u32 $0x10, v3  }
0x13: {  	v5 =	vor.u32 $0x11, v3  }
0x14: {  	v6 =	vor.u32 $0x12, v3  }
0x15: {  	v7 =	vor.u32 $0x13, v3  }
0x16: {  	v8 =	vor.u32 $0x14, v3  }
0x17: {  	v9 =	vor.u32 $0x15, v3;
	v4 =	vld.idx.msk [tilespmem:v4+s2+$0x0], $0xffff  }
0x18: {  	v10 =	vor.u32 $0x16, v3;
	v5 =	vld.idx.msk [tilespmem:v5+s2+$0x0], $0xffff  }
0x19: {  	v46 =	vor.u32 $0x17, v3;
	v6 =	vld.idx.msk [tilespmem:v6+s2+$0x0], $0xffff  }
0x1a: {  	v11 =	vor.u32 $0x20, v3;
	v7 =	vld.idx.msk [tilespmem:v7+s2+$0x0], $0xffff  }
0x1b: {  	v48 =	vor.u32 $0x21, v3;
	v45 =	vld.idx.msk [tilespmem:v8+s2+$0x0], $0xffff  }
0x1c: {  	v12 =	vor.u32 $0x18, v3;
	v47 =	vld.idx.msk [tilespmem:v9+s2+$0x0], $0xffff  }
0x1d: {  	v50 =	vor.u32 $0x22, v3;
	v49 =	vld.idx.msk [tilespmem:v10+s2+$0x0], $0xffff  }
0x1e: {  	v52 =	vor.u32 $0x23, v3;
	v54 =	vor.u32 $0x24, v3;
	v8 =	vld.idx.msk [tilespmem:v46+s2+$0x0], $0xffff  }
0x1f: {  	v14 =	vor.u32 $0x19, v3;
	v15 =	vor.u32 $0x1A, v3;
	v59 =	vor.u32 $0x27, v3;
	v51 =	vld.idx.msk [tilespmem:v11+s2+$0x0], $0xffff  }
0x20: {  	v55 =	vor.u32 $0x25, v3;
	v16 =	vor.u32 $0x26, v3;
	v61 =	vor.u32 $0x1D, v3;
	v9 =	vld.idx.msk [tilespmem:v48+s2+$0x0], $0xffff  }
0x21: {  	v56 =	vor.u32 $0x1B, v3;
	v17 =	vor.u32 $0x1C, v3;
	v20 =	vor.u32 $0x1E, v3;
	v53 =	vld.idx.msk [tilespmem:v12+s2+$0x0], $0xffff  }
0x22: {  	v60 =	vor.u32 $0x28, v3;
	v63 =	vor.u32 $0x29, v3;
	v25 =	vor.u32 $0x2B, v3;
	v10 =	vld.idx.msk [tilespmem:v50+s2+$0x0], $0xffff  }
0x23: {  	v23 =	vor.u32 $0x2A, v3;
	v26 =	vor.u32 $0x1F, v3;
	v29 =	vor.u32 $0x2C, v3;
	v57 =	vld.idx.msk [tilespmem:v54+s2+$0x0], $0xffff  }
0x24: {  	v31 =	vor.u32 $0x2D, v3;
	v34 =	vor.u32 $0x2E, v3;
	v36 =	vor.u32 $0x30, v3;
	v21 =	vld.idx.msk [tilespmem:v59+s2+$0x0], $0xffff  }
0x25: {  	v37 =	vor.u32 $0x31, v3;
	v39 =	vor.u32 $0x2F, v3;
	v40 =	vor.u32 $0x32, v3;
	v24 =	vld.idx.msk [tilespmem:v61+s2+$0x0], $0xffff  }
0x26: {  	v44 =	vor.u32 $0x33, v3;
	v18 =	vor.u32 $0x46, v3;
	v28 =	vld.idx.msk [tilespmem:v20+s2+$0x0], $0xffff;
	vm0 =	vgt.f32 v5, v4  }
0x27: {  	v32 =	vld.idx.msk [tilespmem:v25+s2+$0x0], $0xffff;
	v48 =	vor.u32 $0x34, v3;
	v50 =	vor.u32 $0x35, v3;
	v4 =	vsel vm0, v5, v4  }
0x28: {  	v12 =	vld.idx.msk [tilespmem:v26+s2+$0x0], $0xffff;
	v54 =	vor.u32 $0x40, v3;
	v59 =	vor.u32 $0x42, v3;
	vm1 =	vgt.f32 v6, v4  }
0x29: {  	v35 =	vld.idx.msk [tilespmem:v29+s2+$0x0], $0xffff;
	v61 =	vor.u32 $0x37, v3;
	v20 =	vor.u32 $0x38, v3;
	v4 =	vsel vm1, v6, v4  }
0x2a: {  	v38 =	vld.idx.msk [tilespmem:v31+s2+$0x0], $0xffff;
	v25 =	vor.u32 $0x39, v3;
	v26 =	vor.u32 $0x3A, v3;
	vm2 =	vgt.f32 v7, v4  }
0x2b: {  	v42 =	vld.idx.msk [tilespmem:v34+s2+$0x0], $0xffff;
	v29 =	vor.u32 $0x48, v3;
	v31 =	vor.u32 $0x49, v3;
	v4 =	vsel vm2, v7, v4  }
0x2c: {  	v46 =	vld.idx.msk [tilespmem:v37+s2+$0x0], $0xffff;
	v34 =	vor.u32 $0x3C, v3;
	v37 =	vor.u32 $0x4C, v3;
	vm3 =	vgt.f32 v45, v4  }
0x2d: {  	v11 =	vld.idx.msk [tilespmem:v52+s2+$0x0], $0xffff;
	vm15 =	vgt.f32 v9, v51;
	v13 =	vsel vm0, $0x1, v1;
	v4 =	vsel vm3, v45, v4  }
0x2e: {  	v5 =	vsel vm15, v9, v51;
	v41 =	vsel vm15, $0x10, v1;
	vm12 =	vgt.f32 v47, v4  }
0x2f: {  	v13 =	vsel vm1, $0x2, v13;
	vm1 =	vgt.f32 v10, v5;
	v4 =	vsel vm12, v47, v4  }
0x30: {  	v51 =	vor.u32 $0x36, v3;
	v5 =	vsel vm1, v10, v5;
	vm13 =	vgt.f32 v49, v4  }
0x31: {  	v14 =	vld.idx.msk [tilespmem:v14+s2+$0x0], $0xffff;
	v43 =	vsel vm1, $0x20, v41;
	v13 =	vsel vm2, $0x3, v13;
	v4 =	vsel vm13, v49, v4  }
0x32: {  	v7 =	vld.idx.msk [tilespmem:v55+s2+$0x0], $0xffff;
	vm2 =	vgt.f32 v11, v5;
	v13 =	vsel vm3, $0x4, v13;
	vm14 =	vgt.f32 v8, v4  }
0x33: {  	v58 =	vld.idx.msk [tilespmem:v15+s2+$0x0], $0xffff;
	v55 =	vor.u32 $0x41, v3;
	v13 =	vsel vm12, $0x5, v13;
	v4 =	vsel vm14, v8, v4  }
0x34: {  	v62 =	vld.idx.msk [tilespmem:v16+s2+$0x0], $0xffff;
	v5 =	vsel vm2, v11, v5;
	v13 =	vsel vm13, $0x6, v13;
	vm11 =	vgt.f32 v53, v4  }
0x35: {  	v22 =	vld.idx.msk [tilespmem:v17+s2+$0x0], $0xffff;
	vm3 =	vgt.f32 v57, v5;
	v13 =	vsel vm14, $0x7, v13;
	v4 =	vsel vm11, v53, v4  }
0x36: {  	v5 =	vsel vm3, v57, v5;
	v8 =	vld.idx.msk [tilespmem:v56+s2+$0x0], $0xffff;
	v13 =	vsel vm11, $0x8, v13;
	vm4 =	vgt.f32 v14, v4  }
0x37: {  	v6 =	vld.idx.msk [tilespmem:v60+s2+$0x0], $0xffff;
	v13 =	vsel vm4, $0x9, v13;
	v4 =	vsel vm4, v14, v4;
	vm4 =	vgt.f32 v7, v5  }
0x38: {  	v60 =	vld.idx.msk [tilespmem:v51+s2+$0x0], $0xffff;
	v51 =	vor.u32 $0x3, v3;
	v45 =	vsel vm2, $0x30, v43;
	v5 =	vsel vm4, v7, v5  }
0x39: {  	v43 =	vor.u32 $0x3E, v3;
	vm5 =	vgt.f32 v58, v4;
	vm12 =	vgt.f32 v62, v5  }
0x3a: {  	v27 =	vld.idx.msk [tilespmem:v63+s2+$0x0], $0xffff;
	v13 =	vsel vm5, $0xA, v13;
	v4 =	vsel vm5, v58, v4;
	v5 =	vsel vm12, v62, v5  }
0x3b: {  	v58 =	vld.idx.msk [tilespmem:v48+s2+$0x0], $0xffff;
	v48 =	vor.u32 $0x4F, v3;
	vm7 =	vgt.f32 v8, v4;
	vm6 =	vgt.f32 v21, v5  }
0x3c: {  	v30 =	vld.idx.msk [tilespmem:v23+s2+$0x0], $0xffff;
	v62 =	vor.u32 $0x43, v3;
	v4 =	vsel vm7, v8, v4;
	v5 =	vsel vm6, v21, v5  }
0x3d: {  	v13 =	vsel vm7, $0xB, v13;
	vm8 =	vgt.f32 v22, v4;
	vm13 =	vgt.f32 v6, v5  }
0x3e: {  	v8 =	vld.idx.msk [tilespmem:v40+s2+$0x0], $0xffff;
	v40 =	vor.u32 $0x3D, v3;
	v4 =	vsel vm8, v22, v4;
	v5 =	vsel vm13, v6, v5  }
0x3f: {  	v13 =	vsel vm8, $0xC, v13;
	vm9 =	vgt.f32 v24, v4;
	vm8 =	vgt.f32 v27, v5  }
0x40: {  	v21 =	vor.u32 $0x44, v3;
	v33 =	vsel vm9, $0xD, v13;
	v5 =	vsel vm8, v27, v5  }
0x41: {  	v4 =	vsel vm9, v24, v4;
	v24 =	vor.u32 $0x45, v3;
	vm14 =	vgt.f32 v30, v5  }
0x42: {  	vm10 =	vgt.f32 v28, v4;
	v27 =	vor.u32 $0x47, v3;
	v5 =	vsel vm14, v30, v5  }
0x43: {  	v11 =	vld.idx.msk [tilespmem:v36+s2+$0x0], $0xffff;
	v10 =	vsel vm10, $0xE, v33;
	v4 =	vsel vm10, v28, v4;
	vm10 =	vgt.f32 v32, v5  }
0x44: {  	v28 =	vor.u32 $0x3B, v3;
	vm15 =	vgt.f32 v12, v4;
	v5 =	vsel vm10, v32, v5  }
0x45: {  	v47 =	vld.idx.msk [tilespmem:v39+s2+$0x0], $0xffff;
	v4 =	vsel vm15, $0xF, v10;
	v10 =	vsel vm3, $0x40, v45;
	vm11 =	vgt.f32 v35, v5  }
0x46: {  	v16 =	vld.idx.msk [tilespmem:v55+s2+$0x0], $0xffff;
	v33 =	vor.u32 $0x4A, v3;
	v49 =	vsel vm4, $0x50, v10;
	v5 =	vsel vm11, v35, v5  }
0x47: {  	v10 =	vld.idx.msk [tilespmem:v50+s2+$0x0], $0xffff;
	v50 =	vor.u32 $0x2, v3;
	v9 =	vsel vm12, $0x60, v49;
	vm2 =	vgt.f32 v38, v5  }
0x48: {  	v53 =	vld.idx.msk [tilespmem:v44+s2+$0x0], $0xffff;
	vm12 =	vgt.f32 v46, v11;
	v52 =	vsel vm6, $0x70, v9;
	v5 =	vsel vm2, v38, v5  }
0x49: {  	v13 =	vld.idx.msk [tilespmem:v54+s2+$0x0], $0xffff;
	v49 =	vor.u32 $0x1, v3;
	v6 =	vsel vm13, $0x80, v52;
	vm0 =	vgt.f32 v42, v5  }
0x4a: {  	v57 =	vsel vm12, v46, v11;
	v56 =	vsel vm8, $0x90, v6;
	v5 =	vsel vm0, v42, v5  }
0x4b: {  	v22 =	vld.idx.msk [tilespmem:v59+s2+$0x0], $0xffff;
	v63 =	vsel vm12, $0x1, v1;
	vm13 =	vgt.f32 v47, v5;
	v5 =	vsel vm14, $0xA0, v56  }
0x4c: {  	v35 =	vor.u32 $0x4B, v3;
	vm14 =	vgt.f32 v8, v57;
	v5 =	vsel vm10, $0xB0, v5  }
0x4d: {  	v14 =	vld.idx.msk [tilespmem:v62+s2+$0x0], $0xffff;
	v46 =	vor.u32 $0x4E, v3;
	v6 =	vsel vm14, v8, v57;
	v5 =	vsel vm11, $0xC0, v5  }
0x4e: {  	vm15 =	vgt.f32 v53, v6;
	v5 =	vsel vm2, $0xD0, v5;
	vm2 =	vgt.f32 v16, v13  }
0x4f: {  	v17 =	vld.idx.msk [tilespmem:v21+s2+$0x0], $0xffff;
	v15 =	vsel vm14, $0x2, v63;
	v6 =	vsel vm15, v53, v6;
	v13 =	vsel vm2, v16, v13  }
0x50: {  	v12 =	vld.idx.msk [tilespmem:v61+s2+$0x0], $0xffff;
	v15 =	vsel vm15, $0x3, v15;
	vm8 =	vgt.f32 v58, v6;
	vm3 =	vgt.f32 v22, v13  }
0x51: {  	v6 =	vsel vm8, v58, v6;
	v23 =	vsel vm8, $0x4, v15;
	v15 =	vld.idx.msk [tilespmem:v24+s2+$0x0], $0xffff;
	v7 =	vsel vm3, v22, v13  }
0x52: {  	v42 =	vor.u32 $0x4D, v3;
	vm9 =	vgt.f32 v10, v6;
	vm4 =	vgt.f32 v14, v7  }
0x53: {  	v30 =	vld.idx.msk [tilespmem:v18+s2+$0x0], $0xffff;
	v47 =	vor.u32 $0x3F, v3;
	v6 =	vsel vm9, v10, v6;
	v7 =	vsel vm4, v14, v7  }
0x54: {  	v9 =	vld.idx.msk [tilespmem:v20+s2+$0x0], $0xffff;
	v5 =	vsel vm0, $0xE0, v5;
	vm10 =	vgt.f32 v60, v6;
	vm0 =	vgt.f32 v17, v7  }
0x55: {  	v8 =	vld.idx.msk [tilespmem:v27+s2+$0x0], $0xffff;
	v44 =	vsel vm2, $0x10, v1;
	v6 =	vsel vm10, v60, v6;
	v7 =	vsel vm0, v17, v7  }
0x56: {  	v36 =	vld.idx.msk [tilespmem:v31+s2+$0x0], $0xffff;
	v5 =	vsel vm13, $0xF0, v5;
	vm11 =	vgt.f32 v12, v6;
	vm5 =	vgt.f32 v15, v7  }
0x57: {  	v11 =	vsel vm9, $0x5, v23;
	v6 =	vsel vm11, v12, v6;
	v12 =	vld.idx.msk [tilespmem:v29+s2+$0x0], $0xffff;
	v7 =	vsel vm5, v15, v7  }
0x58: {  	v4 =	vadd.s32 v4, v5;
	v10 =	vld.idx.msk [tilespmem:v25+s2+$0x0], $0xffff;
	v11 =	vsel vm10, $0x6, v11;
	vm1 =	vgt.f32 v30, v7  }
0x59: {  	v39 =	vld.idx.msk [tilespmem:v34+s2+$0x0], $0xffff;
	v17 =	vsel vm3, $0x20, v44;
	v11 =	vsel vm11, $0x7, v11;
	v7 =	vsel vm1, v30, v7  }
0x5a: {  	v16 =	vld.idx.msk [tilespmem:v26+s2+$0x0], $0xffff;
	v17 =	vsel vm4, $0x30, v17;
	vm12 =	vgt.f32 v9, v6;
	vm6 =	vgt.f32 v8, v7  }
0x5b: {  	v38 =	vld.idx.msk [tilespmem:v33+s2+$0x0], $0xffff;
	v17 =	vsel vm0, $0x40, v17;
	v11 =	vsel vm12, $0x8, v11;
	v7 =	vsel vm6, v8, v7  }
0x5c: {  	v32 =	vld.idx.msk [tilespmem:v28+s2+$0x0], $0xffff;
	v6 =	vsel vm12, v9, v6;
	v17 =	vsel vm5, $0x50, v17;
	vm10 =	vgt.f32 v12, v7  }
0x5d: {  	v41 =	vld.idx.msk [tilespmem:v35+s2+$0x0], $0xffff;
	vm13 =	vgt.f32 v10, v6;
	v17 =	vsel vm1, $0x60, v17;
	v7 =	vsel vm10, v12, v7  }
0x5e: {  	v45 =	vld.idx.msk [tilespmem:v37+s2+$0x0], $0xffff;
	v6 =	vsel vm13, v10, v6;
	v11 =	vsel vm13, $0x9, v11;
	vm11 =	vgt.f32 v36, v7  }
0x5f: {  	v52 =	vld.idx.msk [tilespmem:v3+s2+$0x0], $0xffff;
	vm14 =	vgt.f32 v16, v6;
	v17 =	vsel vm6, $0x70, v17;
	v7 =	vsel vm11, v36, v7  }
0x60: {  	v6 =	vsel vm14, v16, v6;
	v11 =	vsel vm14, $0xA, v11;
	v16 =	vld.idx.msk [tilespmem:v40+s2+$0x0], $0xffff;
	vm12 =	vgt.f32 v38, v7  }
0x61: {  	v10 =	vld.idx.msk [tilespmem:v42+s2+$0x0], $0xffff;
	vm15 =	vgt.f32 v32, v6;
	v17 =	vsel vm10, $0x80, v17;
	v7 =	vsel vm12, v38, v7  }
0x62: {  	v12 =	vld.idx.msk [tilespmem:v43+s2+$0x0], $0xffff;
	v11 =	vsel vm15, $0xB, v11;
	v6 =	vsel vm15, v32, v6;
	vm14 =	vgt.f32 v41, v7  }
0x63: {  	v15 =	vld.idx.msk [tilespmem:v46+s2+$0x0], $0xffff;
	vm13 =	vgt.f32 v39, v6;
	v17 =	vsel vm11, $0x90, v17;
	v7 =	vsel vm14, v41, v7  }
0x64: {  	v18 =	vld.idx.msk [tilespmem:v47+s2+$0x0], $0xffff;
	v6 =	vsel vm13, v39, v6;
	v11 =	vsel vm13, $0xC, v11;
	vm15 =	vgt.f32 v45, v7  }
0x65: {  	v8 =	vld.idx.msk [tilespmem:v48+s2+$0x0], $0xffff;
	vm5 =	vgt.f32 v16, v6;
	v54 =	vsel vm12, $0xA0, v17;
	v7 =	vsel vm15, v45, v7  }
0x66: {  	v53 =	vld.idx.msk [tilespmem:v49+s2+$0x0], $0xffff;
	v6 =	vsel vm5, v16, v6;
	v11 =	vsel vm5, $0xD, v11;
	vm6 =	vgt.f32 v10, v7  }
0x67: {  	v9 =	vld.idx.msk [tilespmem:v50+s2+$0x0], $0xffff;
	vm7 =	vgt.f32 v12, v6;
	v13 =	vsel vm14, $0xB0, v54;
	v7 =	vsel vm6, v10, v7  }
0x68: {  	v6 =	vsel vm7, v12, v6;
	v55 =	vsel vm15, $0xC0, v13;
	vm8 =	vgt.f32 v15, v7  }
0x69: {  	v57 =	vld.idx.msk [tilespmem:v51+s2+$0x0], $0xffff;
	v58 =	vsel vm7, $0xE, v11;
	v56 =	vsel vm6, $0xD0, v55;
	v7 =	vsel vm8, v15, v7  }
0x6a: {  	vm9 =	vgt.f32 v18, v6;
	v6 =	vsel vm8, $0xE0, v56;
	vm10 =	vgt.f32 v8, v7  }
0x6b: {  	vm11 =	vgt.f32 v52, $5.000000000e-01;
	v8 =	vsel vm9, $0xF, v58;
	v6 =	vsel vm10, $0xF0, v6  }
0x6c: {  	vm13 =	vgt.f32 v9, $5.000000000e-01;
	vm12 =	vgt.f32 v53, $5.000000000e-01;
	v59 =	vadd.s32 v8, v6  }
0x6d: {  	vm1 =	vmand vm11, vm13;
	vm14 =	vmand vm11, vm12;
	v6 =	vand.u32 v4, v59  }
0x6e: {  	vm15 =	vgt.f32 v57, $5.000000000e-01;
	v60 =	vor.u32 v4, v59;
	v6 =	vnsel vm14, $0x0, v6  }
0x6f: {  	vm0 =	vmand vm11, vm15;
	v4 =	vxor.u32 v4, v59;
	v6 =	vsel vm1, v60, v6  }
0x70: {  	v4 =	vsel vm0, v4, v6  }
0x71: {  	v61 =	vand.u32 $0xF, v4  }
0x72: {  	v4 =	vshrl.u32 v4, $0x4;
	v5 =	vor.u32 v61, v3  }
0x73: {  	v3 =	vadd.s32 v3, v4;
	v62 =	vor.u32 $0x50, v5  }
0x74: {  	p0 =	sne.s32 s10, $0xF0;
	v3 =	vadd.s32 $0x60, v3  }
.Ltmp0:
0x75: {  	vm1 =	vmor vm14, vm1;
	(pc) =	sbr.rel @p0 .LBB2_2-.Ltmp0, $4  }
0x76: {  	vm0 =	vmor vm1, vm0  }
0x77: {  	v63 =	vsel vm0, $0x3F800000, v2  }
0x78: {  	[tilespmem:v62+s2+$0x0] =	vst.idx.add.f32.msk $0xffff, v63  }
0x79: {  	s10 =	sadd.s32 $0x10, s10;
	[tilespmem:v3+s2+$0x0] =	vst.idx.add.f32.msk $0xffff, v63  }
0x7a: {  	s9 =	sadd.s32 $0x1, s9  }
0x7b: {  	p0 =	sne.s32 s9, s5  }
.Ltmp1:
0x7c: {  	_ = 	snop;
	(pc) =	sbr.rel @p0 .LBB2_1-.Ltmp1, $4  }
0x7d: {  	[hbm4b:s4+s2] =	stream.linear.scatter [tilespmem:s2], [sflag:$0x1], $0x8000, $0x38;
	[tilespmem:$0x8000] =	vst v63  }
0x7e: {  	_ =	swait.ge [sflag:s8], $0x8000  }
0x7f: {  	[sflag:s8] =	ssyncset.done $0x0  }
0x80: {  	[sflag:s8] =	ssyncadd.s32 $0xFFFF8000  }
0x81: {  	_ =	sfence.sel $0x180000  }
0x82: {  	[bflag:$0x0] =	sbarrier.arrive $0xFFFF  }
0x83: {  	p0 =	sne.s32 s1, $0x0;
	_ =	strace $0x90000047  }
0x84: {  	s0 =	sadd.s32 @!p0 $0x100000, s0;
	[bflag:$0x2] =	sbarrier.arrive $0xFFFF  }
0x85: {  	[sflag:s0] =	ssyncadd.tile.s32 @!p0 $0x1;
	_ =	shalt  }
.Lfunc_end2:
_tile_overlayer_lowered:
.L_overlay_start_2:
0x86: {  	(tag) =	ssettag $0x2  }
0x87: {  	s0 =	rddreg [dreg:$0x0];
	s2 =	stileid.u32  }
0x88: {  	s1 =	rddreg [dreg:$0x1];
	p0 =	sne.s32 s2, $0x0  }
0x89: {  	s3 =	rddreg [dreg:$0x2];
	[bflag:$0x3] =	sbarrier.arrive $0xFFFF;
	s2 =	simm.s32 @!p0 $0x1C01  }
0x8a: {  	[timem:s3], [sflag:s2] =	dma.local @!p0 [hbm:s0], s1  }
0x8b: {  	s0 =	simm.s32 @!p0 $0x1  }
0x8c: {  	_ =	swait.ge @!p0 [sflag:s0], s1  }
0x8d: {  	s1 =	ssub.s32 @!p0 $0x0, s1;
	[sflag:s0] =	ssyncset.done @!p0 $0x0  }
0x8e: {  	[sflag:s0] =	ssyncadd.s32 @!p0 s1  }
0x8f: {  	[bflag:$0x3] =	sbarrier.arrive $0xFFFF  }
0x90: {  	_ =	shalt  }

</sc_bundles>
